<compile_context>
chip_gen: v7x
topology: tpu7x:2x2x1
jax: 0.10.2.dev20260603
libtpu: 0.0.44.dev20260713+nightly
codegen_flags: <defaults>
</compile_context>

<pallas_src>
import functools

import jax
import jax.numpy as jnp
from jax import lax
from jax.experimental import pallas as pl
from jax.experimental.pallas import tpu as pltpu
from jax.experimental.pallas import tpu_sc as plsc

N_ROWS = 16384
N_COLS = 256
N_OUT = 16
L = 16

SC_ROWS = 6144

NC = 2
NS = 16
NW = NC * NS
ROWS_PER_W = SC_ROWS // NW
CHUNK = 96
NCHUNK = ROWS_PER_W // CHUNK
NBUF = min(3, NCHUNK)

TC_BLOCK = 2048


_mesh = plsc.VectorSubcoreMesh(core_axis_name="c", subcore_axis_name="s")


@functools.partial(
    pl.kernel,
    mesh=_mesh,
    out_type=jax.ShapeDtypeStruct((SC_ROWS * N_OUT,), jnp.float32),
    scratch_types=[
        pltpu.VMEM((NBUF, CHUNK, N_COLS), jnp.float32),
        pltpu.VMEM((2, CHUNK * N_OUT), jnp.float32),
        [pltpu.SemaphoreType.DMA] * NBUF,
        [pltpu.SemaphoreType.DMA] * 2,
    ],
)
def _pool_sc(x_hbm, out_hbm, in_v, out_v, sem_in, sem_out):
    wid = lax.axis_index("s") * NC + lax.axis_index("c")
    base = wid * ROWS_PER_W

    def in_copy(ci):
        return pltpu.make_async_copy(
            x_hbm.at[pl.ds(base + ci * CHUNK, CHUNK)], in_v.at[ci % NBUF],
            sem_in[ci % NBUF])

    def out_copy(ci):
        return pltpu.make_async_copy(
            out_v.at[ci % 2],
            out_hbm.at[pl.ds((base + ci * CHUNK) * N_OUT, CHUNK * N_OUT)],
            sem_out[ci % 2])

    for ci in range(NBUF):
        in_copy(ci).start()
    for ci in range(NCHUNK):
        buf = ci % NBUF
        if ci >= 2:
            out_copy(ci - 2).wait()
        in_copy(ci).wait()

        @plsc.parallel_loop(0, CHUNK, unroll=4)
        def row_body(r):
            vs = [in_v[buf, r, pl.ds(k * L, L)] for k in range(16)]
            while len(vs) > 1:
                vs = [jnp.maximum(vs[i], vs[i + 1])
                      for i in range(0, len(vs), 2)]
            out_v[ci % 2, pl.ds(r * N_OUT, N_OUT)] = vs[0]

        if ci + NBUF < NCHUNK:
            in_copy(ci + NBUF).start()
        out_copy(ci).start()

    if NCHUNK >= 2:
        out_copy(NCHUNK - 2).wait()
    out_copy(NCHUNK - 1).wait()


def _tc_body(x_ref, o_ref):
    m = jnp.maximum(x_ref[:, :128], x_ref[:, 128:])
    m = jnp.maximum(m[:, :64], m[:, 64:])
    m = jnp.maximum(m[:, :32], m[:, 32:])
    m = jnp.maximum(m[:, :16], m[:, 16:])
    o_ref[...] = m.T


def _pool_tc(x):
    rows = N_ROWS - SC_ROWS
    return pl.pallas_call(
        _tc_body,
        grid=(rows // TC_BLOCK,),
        in_specs=[pl.BlockSpec((TC_BLOCK, N_COLS),
                               lambda i: (i + SC_ROWS // TC_BLOCK, 0))],
        out_specs=pl.BlockSpec((N_OUT, TC_BLOCK), lambda i: (0, i)),
        out_shape=jax.ShapeDtypeStruct((N_OUT, rows), jnp.float32),
    )(x)


def kernel(x):
    sc_flat = _pool_sc(x)
    tc_t = _pool_tc(x)
    return jnp.concatenate(
        [sc_flat.reshape(SC_ROWS, N_OUT), tc_t.T], axis=0)

# --- scband reference (transcript-rebuilt; emitter-appended) ---
"""Pipeline reference for scband-max-pool-layer-6485400616962 (READ-ONLY COPY).

The authoritative reference and input builder live on the scoring server;
editing this copy changes nothing except your own understanding.
"""

import jax, jax.numpy as jnp
import numpy as np

LEAF_ACTIONS = np.array([i % 16 for i in range(256)], dtype=np.int64)
_actions = np.unique(LEAF_ACTIONS)
NODE_GROUPS = [np.where(LEAF_ACTIONS == a)[0] for a in _actions]
NUM_GROUPS = len(NODE_GROUPS)


def setup_inputs(seed: int = 0) -> dict:
    key = jax.random.key(seed)
    x = jax.random.normal(key, (16384, 256), dtype=jnp.float32)
    return {"x": x}


def reference(x):
    # Faithful translation of MaxPoolLayer.forward: for each action group,
    # gather the group's columns and take the max over them.
    outs = []
    for g in NODE_GROUPS:
        group_nodes = x[:, jnp.asarray(g)]
        outs.append(jnp.max(group_nodes, axis=1))
    return jnp.stack(outs, axis=1)

if __name__ == "__main__":
    import jax
    _d = setup_inputs()
    print(jax.jit(kernel)(*tuple(_d.values())))

</pallas_src>

<mosaic_0001>
#map = affine_map<(d0, d1) -> (0, 0)>
#map1 = affine_map<(d0, d1) -> (0)>
module attributes {stable_mosaic.version = 14 : i64} {
  func.func @_pool_sc(%arg0: i32, %arg1: i32, %arg2: memref<16384x256xf32, #tpu.memory_space<hbm>>, %arg3: memref<98304xf32, #tpu.memory_space<hbm>>, %arg4: memref<2x96x256xf32, #tpu.memory_space<vmem>>, %arg5: memref<2x1536xf32, #tpu.memory_space<vmem>>, %arg6: memref<!tpu.dma_semaphore, #tpu.memory_space<semaphore_mem>>, %arg7: memref<!tpu.dma_semaphore, #tpu.memory_space<semaphore_mem>>, %arg8: memref<!tpu.dma_semaphore, #tpu.memory_space<semaphore_mem>>, %arg9: memref<!tpu.dma_semaphore, #tpu.memory_space<semaphore_mem>>) attributes {dimension_semantics = [#tpu.dimension_semantics<core_parallel>, #tpu.dimension_semantics<subcore_parallel>], iteration_bounds = array<i64: 2, 16>, scalar_prefetch = 0 : i64, scratch_operands = 6 : i64, tpu.core_type = #tpu.core_type<sc_vector_subcore>, window_params = [{transform_indices = #map}, {transform_indices = #map1}]} {
    %mul3A = arith.constant 2 : i32
    %mul3A_0 = arith.muli %arg1, %mul3A : i32
    %add3A = arith.addi %mul3A_0, %arg0 : i32
    %mul3A_1 = arith.constant 192 : i32
    %mul3A_2 = arith.muli %add3A, %mul3A_1 : i32
    %add3A_3 = arith.constant 0 : i32
    %add3A_4 = arith.addi %mul3A_2, %add3A_3 : i32
    %dma_start3A = arith.constant 0 : i32
    %dma_start3A_5 = arith.constant 0 : i32
    %dma_start3A_6 = arith.constant 0 : i32
    %dma_start3A_7 = tpu.memref_slice %arg4[%dma_start3A, %dma_start3A_5, %dma_start3A_6] : memref<2x96x256xf32, #tpu.memory_space<vmem>> -> memref<1x96x256xf32, #tpu.memory_space<vmem>>
    %dma_start3A_8 = tpu.memref_squeeze %dma_start3A_7 : memref<1x96x256xf32, #tpu.memory_space<vmem>> -> memref<96x256xf32, #tpu.memory_space<vmem>>
    %dma_start3A_9 = arith.constant 0 : i32
    %dma_start3A_10 = tpu.memref_slice %arg2[%add3A_4, %dma_start3A_9] : memref<16384x256xf32, #tpu.memory_space<hbm>> -> memref<96x256xf32, #tpu.memory_space<hbm>>
    %dma_start3A_11 = arith.constant 0 : i32
    %dma_start3A_12 = arith.constant 0 : i32
    %dma_start3A_13 = tpu.memref_slice %arg4[%dma_start3A, %dma_start3A_11, %dma_start3A_12] : memref<2x96x256xf32, #tpu.memory_space<vmem>> -> memref<1x96x256xf32, #tpu.memory_space<vmem>>
    %dma_start3A_14 = tpu.memref_squeeze %dma_start3A_13 : memref<1x96x256xf32, #tpu.memory_space<vmem>> -> memref<96x256xf32, #tpu.memory_space<vmem>>
    %dma_start3A_15 = arith.constant 0 : i32
    %dma_start3A_16 = tpu.memref_slice %arg2[%add3A_4, %dma_start3A_15] : memref<16384x256xf32, #tpu.memory_space<hbm>> -> memref<96x256xf32, #tpu.memory_space<hbm>>
    tpu.enqueue_dma source(%dma_start3A_16 : memref<96x256xf32, #tpu.memory_space<hbm>>) target(%dma_start3A_14 : memref<96x256xf32, #tpu.memory_space<vmem>>) target_semaphore(%arg6 : memref<!tpu.dma_semaphore, #tpu.memory_space<semaphore_mem>>)
    %add3A_17 = arith.constant 96 : i32
    %add3A_18 = arith.addi %mul3A_2, %add3A_17 : i32
    %dma_start3A_19 = arith.constant 1 : i32
    %dma_start3A_20 = arith.constant 0 : i32
    %dma_start3A_21 = arith.constant 0 : i32
    %dma_start3A_22 = tpu.memref_slice %arg4[%dma_start3A_19, %dma_start3A_20, %dma_start3A_21] : memref<2x96x256xf32, #tpu.memory_space<vmem>> -> memref<1x96x256xf32, #tpu.memory_space<vmem>>
    %dma_start3A_23 = tpu.memref_squeeze %dma_start3A_22 : memref<1x96x256xf32, #tpu.memory_space<vmem>> -> memref<96x256xf32, #tpu.memory_space<vmem>>
    %dma_start3A_24 = arith.constant 0 : i32
    %dma_start3A_25 = tpu.memref_slice %arg2[%add3A_18, %dma_start3A_24] : memref<16384x256xf32, #tpu.memory_space<hbm>> -> memref<96x256xf32, #tpu.memory_space<hbm>>
    %dma_start3A_26 = arith.constant 0 : i32
    %dma_start3A_27 = arith.constant 0 : i32
    %dma_start3A_28 = tpu.memref_slice %arg4[%dma_start3A_19, %dma_start3A_26, %dma_start3A_27] : memref<2x96x256xf32, #tpu.memory_space<vmem>> -> memref<1x96x256xf32, #tpu.memory_space<vmem>>
    %dma_start3A_29 = tpu.memref_squeeze %dma_start3A_28 : memref<1x96x256xf32, #tpu.memory_space<vmem>> -> memref<96x256xf32, #tpu.memory_space<vmem>>
    %dma_start3A_30 = arith.constant 0 : i32
    %dma_start3A_31 = tpu.memref_slice %arg2[%add3A_18, %dma_start3A_30] : memref<16384x256xf32, #tpu.memory_space<hbm>> -> memref<96x256xf32, #tpu.memory_space<hbm>>
    tpu.enqueue_dma source(%dma_start3A_31 : memref<96x256xf32, #tpu.memory_space<hbm>>) target(%dma_start3A_29 : memref<96x256xf32, #tpu.memory_space<vmem>>) target_semaphore(%arg7 : memref<!tpu.dma_semaphore, #tpu.memory_space<semaphore_mem>>)
    %add3A_32 = arith.constant 0 : i32
    %add3A_33 = arith.addi %mul3A_2, %add3A_32 : i32
    %dma_wait3A = arith.constant 0 : i32
    %dma_wait3A_34 = arith.constant 0 : i32
    %dma_wait3A_35 = arith.constant 0 : i32
    %dma_wait3A_36 = tpu.memref_slice %arg4[%dma_wait3A, %dma_wait3A_34, %dma_wait3A_35] : memref<2x96x256xf32, #tpu.memory_space<vmem>> -> memref<1x96x256xf32, #tpu.memory_space<vmem>>
    %dma_wait3A_37 = tpu.memref_squeeze %dma_wait3A_36 : memref<1x96x256xf32, #tpu.memory_space<vmem>> -> memref<96x256xf32, #tpu.memory_space<vmem>>
    %dma_wait3A_38 = arith.constant 0 : i32
    %dma_wait3A_39 = tpu.memref_slice %arg2[%add3A_33, %dma_wait3A_38] : memref<16384x256xf32, #tpu.memory_space<hbm>> -> memref<96x256xf32, #tpu.memory_space<hbm>>
    %dma_wait3A_40 = arith.constant 0 : i32
    %dma_wait3A_41 = arith.constant 0 : i32
    %dma_wait3A_42 = tpu.memref_slice %arg4[%dma_wait3A, %dma_wait3A_40, %dma_wait3A_41] : memref<2x96x256xf32, #tpu.memory_space<vmem>> -> memref<1x96x256xf32, #tpu.memory_space<vmem>>
    %dma_wait3A_43 = tpu.memref_squeeze %dma_wait3A_42 : memref<1x96x256xf32, #tpu.memory_space<vmem>> -> memref<96x256xf32, #tpu.memory_space<vmem>>
    %dma_wait3A_44 = arith.constant 0 : i32
    %dma_wait3A_45 = tpu.memref_slice %arg2[%add3A_33, %dma_wait3A_44] : memref<16384x256xf32, #tpu.memory_space<hbm>> -> memref<96x256xf32, #tpu.memory_space<hbm>>
    tpu.wait_dma2 semaphore(%arg6 : memref<!tpu.dma_semaphore, #tpu.memory_space<semaphore_mem>>) src(%dma_wait3A_45 : memref<96x256xf32, #tpu.memory_space<hbm>>) dst(%dma_wait3A_43 : memref<96x256xf32, #tpu.memory_space<vmem>>)
    %parallel_loop3A = arith.constant 0 : i32
    %parallel_loop3A_46 = arith.constant 96 : i32
    %parallel_loop3A_47 = arith.constant 1 : i32
    scf.for %parallel_loop3A_118 = %parallel_loop3A to %parallel_loop3A_46 step %parallel_loop3A_47  : i32 {
      %parallel_loop3A_119 = arith.constant 0 : i32
      %parallel_loop3A_120 = arith.index_cast %parallel_loop3A_119 : i32 to index
      %parallel_loop3A_121 = arith.index_cast %parallel_loop3A_118 : i32 to index
      %parallel_loop3A_122 = arith.constant 0 : index
      %parallel_loop3A_123 = tpu.vector_load %arg4[%parallel_loop3A_120, %parallel_loop3A_121, %parallel_loop3A_122] {strides = array<i32>} : memref<2x96x256xf32, #tpu.memory_space<vmem>>, vector<1x1x16xf32>,
      %parallel_loop3A_124 = vector.shape_cast %parallel_loop3A_123 : vector<1x1x16xf32> to vector<16xf32>
      %parallel_loop3A_125 = arith.constant 0 : i32
      %parallel_loop3A_126 = arith.index_cast %parallel_loop3A_125 : i32 to index
      %parallel_loop3A_127 = arith.index_cast %parallel_loop3A_118 : i32 to index
      %parallel_loop3A_128 = arith.constant 16 : index
      %parallel_loop3A_129 = tpu.vector_load %arg4[%parallel_loop3A_126, %parallel_loop3A_127, %parallel_loop3A_128] {strides = array<i32>} : memref<2x96x256xf32, #tpu.memory_space<vmem>>, vector<1x1x16xf32>,
      %parallel_loop3A_130 = vector.shape_cast %parallel_loop3A_129 : vector<1x1x16xf32> to vector<16xf32>
      %parallel_loop3A_131 = arith.constant 0 : i32
      %parallel_loop3A_132 = arith.index_cast %parallel_loop3A_131 : i32 to index
      %parallel_loop3A_133 = arith.index_cast %parallel_loop3A_118 : i32 to index
      %parallel_loop3A_134 = arith.constant 32 : index
      %parallel_loop3A_135 = tpu.vector_load %arg4[%parallel_loop3A_132, %parallel_loop3A_133, %parallel_loop3A_134] {strides = array<i32>} : memref<2x96x256xf32, #tpu.memory_space<vmem>>, vector<1x1x16xf32>,
      %parallel_loop3A_136 = vector.shape_cast %parallel_loop3A_135 : vector<1x1x16xf32> to vector<16xf32>
      %parallel_loop3A_137 = arith.constant 0 : i32
      %parallel_loop3A_138 = arith.index_cast %parallel_loop3A_137 : i32 to index
      %parallel_loop3A_139 = arith.index_cast %parallel_loop3A_118 : i32 to index
      %parallel_loop3A_140 = arith.constant 48 : index
      %parallel_loop3A_141 = tpu.vector_load %arg4[%parallel_loop3A_138, %parallel_loop3A_139, %parallel_loop3A_140] {strides = array<i32>} : memref<2x96x256xf32, #tpu.memory_space<vmem>>, vector<1x1x16xf32>,
      %parallel_loop3A_142 = vector.shape_cast %parallel_loop3A_141 : vector<1x1x16xf32> to vector<16xf32>
      %parallel_loop3A_143 = arith.constant 0 : i32
      %parallel_loop3A_144 = arith.index_cast %parallel_loop3A_143 : i32 to index
      %parallel_loop3A_145 = arith.index_cast %parallel_loop3A_118 : i32 to index
      %parallel_loop3A_146 = arith.constant 64 : index
      %parallel_loop3A_147 = tpu.vector_load %arg4[%parallel_loop3A_144, %parallel_loop3A_145, %parallel_loop3A_146] {strides = array<i32>} : memref<2x96x256xf32, #tpu.memory_space<vmem>>, vector<1x1x16xf32>,
      %parallel_loop3A_148 = vector.shape_cast %parallel_loop3A_147 : vector<1x1x16xf32> to vector<16xf32>
      %parallel_loop3A_149 = arith.constant 0 : i32
      %parallel_loop3A_150 = arith.index_cast %parallel_loop3A_149 : i32 to index
      %parallel_loop3A_151 = arith.index_cast %parallel_loop3A_118 : i32 to index
      %parallel_loop3A_152 = arith.constant 80 : index
      %parallel_loop3A_153 = tpu.vector_load %arg4[%parallel_loop3A_150, %parallel_loop3A_151, %parallel_loop3A_152] {strides = array<i32>} : memref<2x96x256xf32, #tpu.memory_space<vmem>>, vector<1x1x16xf32>,
      %parallel_loop3A_154 = vector.shape_cast %parallel_loop3A_153 : vector<1x1x16xf32> to vector<16xf32>
      %parallel_loop3A_155 = arith.constant 0 : i32
      %parallel_loop3A_156 = arith.index_cast %parallel_loop3A_155 : i32 to index
      %parallel_loop3A_157 = arith.index_cast %parallel_loop3A_118 : i32 to index
      %parallel_loop3A_158 = arith.constant 96 : index
      %parallel_loop3A_159 = tpu.vector_load %arg4[%parallel_loop3A_156, %parallel_loop3A_157, %parallel_loop3A_158] {strides = array<i32>} : memref<2x96x256xf32, #tpu.memory_space<vmem>>, vector<1x1x16xf32>,
      %parallel_loop3A_160 = vector.shape_cast %parallel_loop3A_159 : vector<1x1x16xf32> to vector<16xf32>
      %parallel_loop3A_161 = arith.constant 0 : i32
      %parallel_loop3A_162 = arith.index_cast %parallel_loop3A_161 : i32 to index
      %parallel_loop3A_163 = arith.index_cast %parallel_loop3A_118 : i32 to index
      %parallel_loop3A_164 = arith.constant 112 : index
      %parallel_loop3A_165 = tpu.vector_load %arg4[%parallel_loop3A_162, %parallel_loop3A_163, %parallel_loop3A_164] {strides = array<i32>} : memref<2x96x256xf32, #tpu.memory_space<vmem>>, vector<1x1x16xf32>,
      %parallel_loop3A_166 = vector.shape_cast %parallel_loop3A_165 : vector<1x1x16xf32> to vector<16xf32>
      %parallel_loop3A_167 = arith.constant 0 : i32
      %parallel_loop3A_168 = arith.index_cast %parallel_loop3A_167 : i32 to index
      %parallel_loop3A_169 = arith.index_cast %parallel_loop3A_118 : i32 to index
      %parallel_loop3A_170 = arith.constant 128 : index
      %parallel_loop3A_171 = tpu.vector_load %arg4[%parallel_loop3A_168, %parallel_loop3A_169, %parallel_loop3A_170] {strides = array<i32>} : memref<2x96x256xf32, #tpu.memory_space<vmem>>, vector<1x1x16xf32>,
      %parallel_loop3A_172 = vector.shape_cast %parallel_loop3A_171 : vector<1x1x16xf32> to vector<16xf32>
      %parallel_loop3A_173 = arith.constant 0 : i32
      %parallel_loop3A_174 = arith.index_cast %parallel_loop3A_173 : i32 to index
      %parallel_loop3A_175 = arith.index_cast %parallel_loop3A_118 : i32 to index
      %parallel_loop3A_176 = arith.constant 144 : index
      %parallel_loop3A_177 = tpu.vector_load %arg4[%parallel_loop3A_174, %parallel_loop3A_175, %parallel_loop3A_176] {strides = array<i32>} : memref<2x96x256xf32, #tpu.memory_space<vmem>>, vector<1x1x16xf32>,
      %parallel_loop3A_178 = vector.shape_cast %parallel_loop3A_177 : vector<1x1x16xf32> to vector<16xf32>
      %parallel_loop3A_179 = arith.constant 0 : i32
      %parallel_loop3A_180 = arith.index_cast %parallel_loop3A_179 : i32 to index
      %parallel_loop3A_181 = arith.index_cast %parallel_loop3A_118 : i32 to index
      %parallel_loop3A_182 = arith.constant 160 : index
      %parallel_loop3A_183 = tpu.vector_load %arg4[%parallel_loop3A_180, %parallel_loop3A_181, %parallel_loop3A_182] {strides = array<i32>} : memref<2x96x256xf32, #tpu.memory_space<vmem>>, vector<1x1x16xf32>,
      %parallel_loop3A_184 = vector.shape_cast %parallel_loop3A_183 : vector<1x1x16xf32> to vector<16xf32>
      %parallel_loop3A_185 = arith.constant 0 : i32
      %parallel_loop3A_186 = arith.index_cast %parallel_loop3A_185 : i32 to index
      %parallel_loop3A_187 = arith.index_cast %parallel_loop3A_118 : i32 to index
      %parallel_loop3A_188 = arith.constant 176 : index
      %parallel_loop3A_189 = tpu.vector_load %arg4[%parallel_loop3A_186, %parallel_loop3A_187, %parallel_loop3A_188] {strides = array<i32>} : memref<2x96x256xf32, #tpu.memory_space<vmem>>, vector<1x1x16xf32>,
      %parallel_loop3A_190 = vector.shape_cast %parallel_loop3A_189 : vector<1x1x16xf32> to vector<16xf32>
      %parallel_loop3A_191 = arith.constant 0 : i32
      %parallel_loop3A_192 = arith.index_cast %parallel_loop3A_191 : i32 to index
      %parallel_loop3A_193 = arith.index_cast %parallel_loop3A_118 : i32 to index
      %parallel_loop3A_194 = arith.constant 192 : index
      %parallel_loop3A_195 = tpu.vector_load %arg4[%parallel_loop3A_192, %parallel_loop3A_193, %parallel_loop3A_194] {strides = array<i32>} : memref<2x96x256xf32, #tpu.memory_space<vmem>>, vector<1x1x16xf32>,
      %parallel_loop3A_196 = vector.shape_cast %parallel_loop3A_195 : vector<1x1x16xf32> to vector<16xf32>
      %parallel_loop3A_197 = arith.constant 0 : i32
      %parallel_loop3A_198 = arith.index_cast %parallel_loop3A_197 : i32 to index
      %parallel_loop3A_199 = arith.index_cast %parallel_loop3A_118 : i32 to index
      %parallel_loop3A_200 = arith.constant 208 : index
      %parallel_loop3A_201 = tpu.vector_load %arg4[%parallel_loop3A_198, %parallel_loop3A_199, %parallel_loop3A_200] {strides = array<i32>} : memref<2x96x256xf32, #tpu.memory_space<vmem>>, vector<1x1x16xf32>,
      %parallel_loop3A_202 = vector.shape_cast %parallel_loop3A_201 : vector<1x1x16xf32> to vector<16xf32>
      %parallel_loop3A_203 = arith.constant 0 : i32
      %parallel_loop3A_204 = arith.index_cast %parallel_loop3A_203 : i32 to index
      %parallel_loop3A_205 = arith.index_cast %parallel_loop3A_118 : i32 to index
      %parallel_loop3A_206 = arith.constant 224 : index
      %parallel_loop3A_207 = tpu.vector_load %arg4[%parallel_loop3A_204, %parallel_loop3A_205, %parallel_loop3A_206] {strides = array<i32>} : memref<2x96x256xf32, #tpu.memory_space<vmem>>, vector<1x1x16xf32>,
      %parallel_loop3A_208 = vector.shape_cast %parallel_loop3A_207 : vector<1x1x16xf32> to vector<16xf32>
      %parallel_loop3A_209 = arith.constant 0 : i32
      %parallel_loop3A_210 = arith.index_cast %parallel_loop3A_209 : i32 to index
      %parallel_loop3A_211 = arith.index_cast %parallel_loop3A_118 : i32 to index
      %parallel_loop3A_212 = arith.constant 240 : index
      %parallel_loop3A_213 = tpu.vector_load %arg4[%parallel_loop3A_210, %parallel_loop3A_211, %parallel_loop3A_212] {strides = array<i32>} : memref<2x96x256xf32, #tpu.memory_space<vmem>>, vector<1x1x16xf32>,
      %parallel_loop3A_214 = vector.shape_cast %parallel_loop3A_213 : vector<1x1x16xf32> to vector<16xf32>
      %parallel_loop3A_215 = arith.maximumf %parallel_loop3A_124, %parallel_loop3A_130 : vector<16xf32>
      %parallel_loop3A_216 = arith.maximumf %parallel_loop3A_136, %parallel_loop3A_142 : vector<16xf32>
      %parallel_loop3A_217 = arith.maximumf %parallel_loop3A_148, %parallel_loop3A_154 : vector<16xf32>
      %parallel_loop3A_218 = arith.maximumf %parallel_loop3A_160, %parallel_loop3A_166 : vector<16xf32>
      %parallel_loop3A_219 = arith.maximumf %parallel_loop3A_172, %parallel_loop3A_178 : vector<16xf32>
      %parallel_loop3A_220 = arith.maximumf %parallel_loop3A_184, %parallel_loop3A_190 : vector<16xf32>
      %parallel_loop3A_221 = arith.maximumf %parallel_loop3A_196, %parallel_loop3A_202 : vector<16xf32>
      %parallel_loop3A_222 = arith.maximumf %parallel_loop3A_208, %parallel_loop3A_214 : vector<16xf32>
      %parallel_loop3A_223 = arith.maximumf %parallel_loop3A_215, %parallel_loop3A_216 : vector<16xf32>
      %parallel_loop3A_224 = arith.maximumf %parallel_loop3A_217, %parallel_loop3A_218 : vector<16xf32>
      %parallel_loop3A_225 = arith.maximumf %parallel_loop3A_219, %parallel_loop3A_220 : vector<16xf32>
      %parallel_loop3A_226 = arith.maximumf %parallel_loop3A_221, %parallel_loop3A_222 : vector<16xf32>
      %parallel_loop3A_227 = arith.maximumf %parallel_loop3A_223, %parallel_loop3A_224 : vector<16xf32>
      %parallel_loop3A_228 = arith.maximumf %parallel_loop3A_225, %parallel_loop3A_226 : vector<16xf32>
      %parallel_loop3A_229 = arith.maximumf %parallel_loop3A_227, %parallel_loop3A_228 : vector<16xf32>
      %parallel_loop3A_230 = arith.constant 16 : i32
      %parallel_loop3A_231 = arith.muli %parallel_loop3A_118, %parallel_loop3A_230 : i32
      %parallel_loop3A_232 = arith.constant 0 : i32
      %parallel_loop3A_233 = arith.index_cast %parallel_loop3A_232 : i32 to index
      %parallel_loop3A_234 = arith.index_cast %parallel_loop3A_231 : i32 to index
      %parallel_loop3A_235 = tpu.vector_load %arg5[%parallel_loop3A_233, %parallel_loop3A_234] {strides = array<i32>} : memref<2x1536xf32, #tpu.memory_space<vmem>>, vector<1x16xf32>,
      %parallel_loop3A_236 = vector.shape_cast %parallel_loop3A_235 : vector<1x16xf32> to vector<16xf32>
      %parallel_loop3A_237 = vector.shape_cast %parallel_loop3A_229 : vector<16xf32> to vector<1x16xf32>
      tpu.vector_store %arg5[%parallel_loop3A_233, %parallel_loop3A_234], %parallel_loop3A_237 {strides = array<i32>} : memref<2x1536xf32, #tpu.memory_space<vmem>>, vector<1x16xf32>,
    } {sc.loop_unroll_factor = 4 : i64, sc.parallel_access}
    %add3A_48 = arith.constant 0 : i32
    %add3A_49 = arith.addi %mul3A_2, %add3A_48 : i32
    %mul3A_50 = arith.constant 16 : i32
    %mul3A_51 = arith.muli %add3A_49, %mul3A_50 : i32
    %dma_start3A_52 = arith.constant 0 : i32
    %dma_start3A_53 = arith.constant 0 : i32
    %dma_start3A_54 = tpu.memref_slice %arg5[%dma_start3A_52, %dma_start3A_53] : memref<2x1536xf32, #tpu.memory_space<vmem>> -> memref<1x1536xf32, #tpu.memory_space<vmem>>
    %dma_start3A_55 = tpu.memref_squeeze %dma_start3A_54 : memref<1x1536xf32, #tpu.memory_space<vmem>> -> memref<1536xf32, #tpu.memory_space<vmem>>
    %dma_start3A_56 = tpu.memref_slice %arg3[%mul3A_51] : memref<98304xf32, #tpu.memory_space<hbm>> -> memref<1536xf32, #tpu.memory_space<hbm>>
    %dma_start3A_57 = tpu.memref_slice %arg3[%mul3A_51] : memref<98304xf32, #tpu.memory_space<hbm>> -> memref<1536xf32, #tpu.memory_space<hbm>>
    %dma_start3A_58 = arith.constant 0 : i32
    %dma_start3A_59 = tpu.memref_slice %arg5[%dma_start3A_52, %dma_start3A_58] : memref<2x1536xf32, #tpu.memory_space<vmem>> -> memref<1x1536xf32, #tpu.memory_space<vmem>>
    %dma_start3A_60 = tpu.memref_squeeze %dma_start3A_59 : memref<1x1536xf32, #tpu.memory_space<vmem>> -> memref<1536xf32, #tpu.memory_space<vmem>>
    tpu.enqueue_dma source(%dma_start3A_60 : memref<1536xf32, #tpu.memory_space<vmem>>) target(%dma_start3A_57 : memref<1536xf32, #tpu.memory_space<hbm>>) target_semaphore(%arg8 : memref<!tpu.dma_semaphore, #tpu.memory_space<semaphore_mem>>)
    %add3A_61 = arith.constant 96 : i32
    %add3A_62 = arith.addi %mul3A_2, %add3A_61 : i32
    %dma_wait3A_63 = arith.constant 1 : i32
    %dma_wait3A_64 = arith.constant 0 : i32
    %dma_wait3A_65 = arith.constant 0 : i32
    %dma_wait3A_66 = tpu.memref_slice %arg4[%dma_wait3A_63, %dma_wait3A_64, %dma_wait3A_65] : memref<2x96x256xf32, #tpu.memory_space<vmem>> -> memref<1x96x256xf32, #tpu.memory_space<vmem>>
    %dma_wait3A_67 = tpu.memref_squeeze %dma_wait3A_66 : memref<1x96x256xf32, #tpu.memory_space<vmem>> -> memref<96x256xf32, #tpu.memory_space<vmem>>
    %dma_wait3A_68 = arith.constant 0 : i32
    %dma_wait3A_69 = tpu.memref_slice %arg2[%add3A_62, %dma_wait3A_68] : memref<16384x256xf32, #tpu.memory_space<hbm>> -> memref<96x256xf32, #tpu.memory_space<hbm>>
    %dma_wait3A_70 = arith.constant 0 : i32
    %dma_wait3A_71 = arith.constant 0 : i32
    %dma_wait3A_72 = tpu.memref_slice %arg4[%dma_wait3A_63, %dma_wait3A_70, %dma_wait3A_71] : memref<2x96x256xf32, #tpu.memory_space<vmem>> -> memref<1x96x256xf32, #tpu.memory_space<vmem>>
    %dma_wait3A_73 = tpu.memref_squeeze %dma_wait3A_72 : memref<1x96x256xf32, #tpu.memory_space<vmem>> -> memref<96x256xf32, #tpu.memory_space<vmem>>
    %dma_wait3A_74 = arith.constant 0 : i32
    %dma_wait3A_75 = tpu.memref_slice %arg2[%add3A_62, %dma_wait3A_74] : memref<16384x256xf32, #tpu.memory_space<hbm>> -> memref<96x256xf32, #tpu.memory_space<hbm>>
    tpu.wait_dma2 semaphore(%arg7 : memref<!tpu.dma_semaphore, #tpu.memory_space<semaphore_mem>>) src(%dma_wait3A_75 : memref<96x256xf32, #tpu.memory_space<hbm>>) dst(%dma_wait3A_73 : memref<96x256xf32, #tpu.memory_space<vmem>>)
    %parallel_loop3A_76 = arith.constant 0 : i32
    %parallel_loop3A_77 = arith.constant 96 : i32
    %parallel_loop3A_78 = arith.constant 1 : i32
    scf.for %parallel_loop3A_118 = %parallel_loop3A_76 to %parallel_loop3A_77 step %parallel_loop3A_78  : i32 {
      %parallel_loop3A_119 = arith.constant 1 : i32
      %parallel_loop3A_120 = arith.index_cast %parallel_loop3A_119 : i32 to index
      %parallel_loop3A_121 = arith.index_cast %parallel_loop3A_118 : i32 to index
      %parallel_loop3A_122 = arith.constant 0 : index
      %parallel_loop3A_123 = tpu.vector_load %arg4[%parallel_loop3A_120, %parallel_loop3A_121, %parallel_loop3A_122] {strides = array<i32>} : memref<2x96x256xf32, #tpu.memory_space<vmem>>, vector<1x1x16xf32>,
      %parallel_loop3A_124 = vector.shape_cast %parallel_loop3A_123 : vector<1x1x16xf32> to vector<16xf32>
      %parallel_loop3A_125 = arith.constant 1 : i32
      %parallel_loop3A_126 = arith.index_cast %parallel_loop3A_125 : i32 to index
      %parallel_loop3A_127 = arith.index_cast %parallel_loop3A_118 : i32 to index
      %parallel_loop3A_128 = arith.constant 16 : index
      %parallel_loop3A_129 = tpu.vector_load %arg4[%parallel_loop3A_126, %parallel_loop3A_127, %parallel_loop3A_128] {strides = array<i32>} : memref<2x96x256xf32, #tpu.memory_space<vmem>>, vector<1x1x16xf32>,
      %parallel_loop3A_130 = vector.shape_cast %parallel_loop3A_129 : vector<1x1x16xf32> to vector<16xf32>
      %parallel_loop3A_131 = arith.constant 1 : i32
      %parallel_loop3A_132 = arith.index_cast %parallel_loop3A_131 : i32 to index
      %parallel_loop3A_133 = arith.index_cast %parallel_loop3A_118 : i32 to index
      %parallel_loop3A_134 = arith.constant 32 : index
      %parallel_loop3A_135 = tpu.vector_load %arg4[%parallel_loop3A_132, %parallel_loop3A_133, %parallel_loop3A_134] {strides = array<i32>} : memref<2x96x256xf32, #tpu.memory_space<vmem>>, vector<1x1x16xf32>,
      %parallel_loop3A_136 = vector.shape_cast %parallel_loop3A_135 : vector<1x1x16xf32> to vector<16xf32>
      %parallel_loop3A_137 = arith.constant 1 : i32
      %parallel_loop3A_138 = arith.index_cast %parallel_loop3A_137 : i32 to index
      %parallel_loop3A_139 = arith.index_cast %parallel_loop3A_118 : i32 to index
      %parallel_loop3A_140 = arith.constant 48 : index
      %parallel_loop3A_141 = tpu.vector_load %arg4[%parallel_loop3A_138, %parallel_loop3A_139, %parallel_loop3A_140] {strides = array<i32>} : memref<2x96x256xf32, #tpu.memory_space<vmem>>, vector<1x1x16xf32>,
      %parallel_loop3A_142 = vector.shape_cast %parallel_loop3A_141 : vector<1x1x16xf32> to vector<16xf32>
      %parallel_loop3A_143 = arith.constant 1 : i32
      %parallel_loop3A_144 = arith.index_cast %parallel_loop3A_143 : i32 to index
      %parallel_loop3A_145 = arith.index_cast %parallel_loop3A_118 : i32 to index
      %parallel_loop3A_146 = arith.constant 64 : index
      %parallel_loop3A_147 = tpu.vector_load %arg4[%parallel_loop3A_144, %parallel_loop3A_145, %parallel_loop3A_146] {strides = array<i32>} : memref<2x96x256xf32, #tpu.memory_space<vmem>>, vector<1x1x16xf32>,
      %parallel_loop3A_148 = vector.shape_cast %parallel_loop3A_147 : vector<1x1x16xf32> to vector<16xf32>
      %parallel_loop3A_149 = arith.constant 1 : i32
      %parallel_loop3A_150 = arith.index_cast %parallel_loop3A_149 : i32 to index
      %parallel_loop3A_151 = arith.index_cast %parallel_loop3A_118 : i32 to index
      %parallel_loop3A_152 = arith.constant 80 : index
      %parallel_loop3A_153 = tpu.vector_load %arg4[%parallel_loop3A_150, %parallel_loop3A_151, %parallel_loop3A_152] {strides = array<i32>} : memref<2x96x256xf32, #tpu.memory_space<vmem>>, vector<1x1x16xf32>,
      %parallel_loop3A_154 = vector.shape_cast %parallel_loop3A_153 : vector<1x1x16xf32> to vector<16xf32>
      %parallel_loop3A_155 = arith.constant 1 : i32
      %parallel_loop3A_156 = arith.index_cast %parallel_loop3A_155 : i32 to index
      %parallel_loop3A_157 = arith.index_cast %parallel_loop3A_118 : i32 to index
      %parallel_loop3A_158 = arith.constant 96 : index
      %parallel_loop3A_159 = tpu.vector_load %arg4[%parallel_loop3A_156, %parallel_loop3A_157, %parallel_loop3A_158] {strides = array<i32>} : memref<2x96x256xf32, #tpu.memory_space<vmem>>, vector<1x1x16xf32>,
      %parallel_loop3A_160 = vector.shape_cast %parallel_loop3A_159 : vector<1x1x16xf32> to vector<16xf32>
      %parallel_loop3A_161 = arith.constant 1 : i32
      %parallel_loop3A_162 = arith.index_cast %parallel_loop3A_161 : i32 to index
      %parallel_loop3A_163 = arith.index_cast %parallel_loop3A_118 : i32 to index
      %parallel_loop3A_164 = arith.constant 112 : index
      %parallel_loop3A_165 = tpu.vector_load %arg4[%parallel_loop3A_162, %parallel_loop3A_163, %parallel_loop3A_164] {strides = array<i32>} : memref<2x96x256xf32, #tpu.memory_space<vmem>>, vector<1x1x16xf32>,
      %parallel_loop3A_166 = vector.shape_cast %parallel_loop3A_165 : vector<1x1x16xf32> to vector<16xf32>
      %parallel_loop3A_167 = arith.constant 1 : i32
      %parallel_loop3A_168 = arith.index_cast %parallel_loop3A_167 : i32 to index
      %parallel_loop3A_169 = arith.index_cast %parallel_loop3A_118 : i32 to index
      %parallel_loop3A_170 = arith.constant 128 : index
      %parallel_loop3A_171 = tpu.vector_load %arg4[%parallel_loop3A_168, %parallel_loop3A_169, %parallel_loop3A_170] {strides = array<i32>} : memref<2x96x256xf32, #tpu.memory_space<vmem>>, vector<1x1x16xf32>,
      %parallel_loop3A_172 = vector.shape_cast %parallel_loop3A_171 : vector<1x1x16xf32> to vector<16xf32>
      %parallel_loop3A_173 = arith.constant 1 : i32
      %parallel_loop3A_174 = arith.index_cast %parallel_loop3A_173 : i32 to index
      %parallel_loop3A_175 = arith.index_cast %parallel_loop3A_118 : i32 to index
      %parallel_loop3A_176 = arith.constant 144 : index
      %parallel_loop3A_177 = tpu.vector_load %arg4[%parallel_loop3A_174, %parallel_loop3A_175, %parallel_loop3A_176] {strides = array<i32>} : memref<2x96x256xf32, #tpu.memory_space<vmem>>, vector<1x1x16xf32>,
      %parallel_loop3A_178 = vector.shape_cast %parallel_loop3A_177 : vector<1x1x16xf32> to vector<16xf32>
      %parallel_loop3A_179 = arith.constant 1 : i32
      %parallel_loop3A_180 = arith.index_cast %parallel_loop3A_179 : i32 to index
      %parallel_loop3A_181 = arith.index_cast %parallel_loop3A_118 : i32 to index
      %parallel_loop3A_182 = arith.constant 160 : index
      %parallel_loop3A_183 = tpu.vector_load %arg4[%parallel_loop3A_180, %parallel_loop3A_181, %parallel_loop3A_182] {strides = array<i32>} : memref<2x96x256xf32, #tpu.memory_space<vmem>>, vector<1x1x16xf32>,
      %parallel_loop3A_184 = vector.shape_cast %parallel_loop3A_183 : vector<1x1x16xf32> to vector<16xf32>
      %parallel_loop3A_185 = arith.constant 1 : i32
      %parallel_loop3A_186 = arith.index_cast %parallel_loop3A_185 : i32 to index
      %parallel_loop3A_187 = arith.index_cast %parallel_loop3A_118 : i32 to index
      %parallel_loop3A_188 = arith.constant 176 : index
      %parallel_loop3A_189 = tpu.vector_load %arg4[%parallel_loop3A_186, %parallel_loop3A_187, %parallel_loop3A_188] {strides = array<i32>} : memref<2x96x256xf32, #tpu.memory_space<vmem>>, vector<1x1x16xf32>,
      %parallel_loop3A_190 = vector.shape_cast %parallel_loop3A_189 : vector<1x1x16xf32> to vector<16xf32>
      %parallel_loop3A_191 = arith.constant 1 : i32
      %parallel_loop3A_192 = arith.index_cast %parallel_loop3A_191 : i32 to index
      %parallel_loop3A_193 = arith.index_cast %parallel_loop3A_118 : i32 to index
      %parallel_loop3A_194 = arith.constant 192 : index
      %parallel_loop3A_195 = tpu.vector_load %arg4[%parallel_loop3A_192, %parallel_loop3A_193, %parallel_loop3A_194] {strides = array<i32>} : memref<2x96x256xf32, #tpu.memory_space<vmem>>, vector<1x1x16xf32>,
      %parallel_loop3A_196 = vector.shape_cast %parallel_loop3A_195 : vector<1x1x16xf32> to vector<16xf32>
      %parallel_loop3A_197 = arith.constant 1 : i32
      %parallel_loop3A_198 = arith.index_cast %parallel_loop3A_197 : i32 to index
      %parallel_loop3A_199 = arith.index_cast %parallel_loop3A_118 : i32 to index
      %parallel_loop3A_200 = arith.constant 208 : index
      %parallel_loop3A_201 = tpu.vector_load %arg4[%parallel_loop3A_198, %parallel_loop3A_199, %parallel_loop3A_200] {strides = array<i32>} : memref<2x96x256xf32, #tpu.memory_space<vmem>>, vector<1x1x16xf32>,
      %parallel_loop3A_202 = vector.shape_cast %parallel_loop3A_201 : vector<1x1x16xf32> to vector<16xf32>
      %parallel_loop3A_203 = arith.constant 1 : i32
      %parallel_loop3A_204 = arith.index_cast %parallel_loop3A_203 : i32 to index
      %parallel_loop3A_205 = arith.index_cast %parallel_loop3A_118 : i32 to index
      %parallel_loop3A_206 = arith.constant 224 : index
      %parallel_loop3A_207 = tpu.vector_load %arg4[%parallel_loop3A_204, %parallel_loop3A_205, %parallel_loop3A_206] {strides = array<i32>} : memref<2x96x256xf32, #tpu.memory_space<vmem>>, vector<1x1x16xf32>,
      %parallel_loop3A_208 = vector.shape_cast %parallel_loop3A_207 : vector<1x1x16xf32> to vector<16xf32>
      %parallel_loop3A_209 = arith.constant 1 : i32
      %parallel_loop3A_210 = arith.index_cast %parallel_loop3A_209 : i32 to index
      %parallel_loop3A_211 = arith.index_cast %parallel_loop3A_118 : i32 to index
      %parallel_loop3A_212 = arith.constant 240 : index
      %parallel_loop3A_213 = tpu.vector_load %arg4[%parallel_loop3A_210, %parallel_loop3A_211, %parallel_loop3A_212] {strides = array<i32>} : memref<2x96x256xf32, #tpu.memory_space<vmem>>, vector<1x1x16xf32>,
      %parallel_loop3A_214 = vector.shape_cast %parallel_loop3A_213 : vector<1x1x16xf32> to vector<16xf32>
      %parallel_loop3A_215 = arith.maximumf %parallel_loop3A_124, %parallel_loop3A_130 : vector<16xf32>
      %parallel_loop3A_216 = arith.maximumf %parallel_loop3A_136, %parallel_loop3A_142 : vector<16xf32>
      %parallel_loop3A_217 = arith.maximumf %parallel_loop3A_148, %parallel_loop3A_154 : vector<16xf32>
      %parallel_loop3A_218 = arith.maximumf %parallel_loop3A_160, %parallel_loop3A_166 : vector<16xf32>
      %parallel_loop3A_219 = arith.maximumf %parallel_loop3A_172, %parallel_loop3A_178 : vector<16xf32>
      %parallel_loop3A_220 = arith.maximumf %parallel_loop3A_184, %parallel_loop3A_190 : vector<16xf32>
      %parallel_loop3A_221 = arith.maximumf %parallel_loop3A_196, %parallel_loop3A_202 : vector<16xf32>
      %parallel_loop3A_222 = arith.maximumf %parallel_loop3A_208, %parallel_loop3A_214 : vector<16xf32>
      %parallel_loop3A_223 = arith.maximumf %parallel_loop3A_215, %parallel_loop3A_216 : vector<16xf32>
      %parallel_loop3A_224 = arith.maximumf %parallel_loop3A_217, %parallel_loop3A_218 : vector<16xf32>
      %parallel_loop3A_225 = arith.maximumf %parallel_loop3A_219, %parallel_loop3A_220 : vector<16xf32>
      %parallel_loop3A_226 = arith.maximumf %parallel_loop3A_221, %parallel_loop3A_222 : vector<16xf32>
      %parallel_loop3A_227 = arith.maximumf %parallel_loop3A_223, %parallel_loop3A_224 : vector<16xf32>
      %parallel_loop3A_228 = arith.maximumf %parallel_loop3A_225, %parallel_loop3A_226 : vector<16xf32>
      %parallel_loop3A_229 = arith.maximumf %parallel_loop3A_227, %parallel_loop3A_228 : vector<16xf32>
      %parallel_loop3A_230 = arith.constant 16 : i32
      %parallel_loop3A_231 = arith.muli %parallel_loop3A_118, %parallel_loop3A_230 : i32
      %parallel_loop3A_232 = arith.constant 1 : i32
      %parallel_loop3A_233 = arith.index_cast %parallel_loop3A_232 : i32 to index
      %parallel_loop3A_234 = arith.index_cast %parallel_loop3A_231 : i32 to index
      %parallel_loop3A_235 = tpu.vector_load %arg5[%parallel_loop3A_233, %parallel_loop3A_234] {strides = array<i32>} : memref<2x1536xf32, #tpu.memory_space<vmem>>, vector<1x16xf32>,
      %parallel_loop3A_236 = vector.shape_cast %parallel_loop3A_235 : vector<1x16xf32> to vector<16xf32>
      %parallel_loop3A_237 = vector.shape_cast %parallel_loop3A_229 : vector<16xf32> to vector<1x16xf32>
      tpu.vector_store %arg5[%parallel_loop3A_233, %parallel_loop3A_234], %parallel_loop3A_237 {strides = array<i32>} : memref<2x1536xf32, #tpu.memory_space<vmem>>, vector<1x16xf32>,
    } {sc.loop_unroll_factor = 4 : i64, sc.parallel_access}
    %add3A_79 = arith.constant 96 : i32
    %add3A_80 = arith.addi %mul3A_2, %add3A_79 : i32
    %mul3A_81 = arith.constant 16 : i32
    %mul3A_82 = arith.muli %add3A_80, %mul3A_81 : i32
    %dma_start3A_83 = arith.constant 1 : i32
    %dma_start3A_84 = arith.constant 0 : i32
    %dma_start3A_85 = tpu.memref_slice %arg5[%dma_start3A_83, %dma_start3A_84] : memref<2x1536xf32, #tpu.memory_space<vmem>> -> memref<1x1536xf32, #tpu.memory_space<vmem>>
    %dma_start3A_86 = tpu.memref_squeeze %dma_start3A_85 : memref<1x1536xf32, #tpu.memory_space<vmem>> -> memref<1536xf32, #tpu.memory_space<vmem>>
    %dma_start3A_87 = tpu.memref_slice %arg3[%mul3A_82] : memref<98304xf32, #tpu.memory_space<hbm>> -> memref<1536xf32, #tpu.memory_space<hbm>>
    %dma_start3A_88 = tpu.memref_slice %arg3[%mul3A_82] : memref<98304xf32, #tpu.memory_space<hbm>> -> memref<1536xf32, #tpu.memory_space<hbm>>
    %dma_start3A_89 = arith.constant 0 : i32
    %dma_start3A_90 = tpu.memref_slice %arg5[%dma_start3A_83, %dma_start3A_89] : memref<2x1536xf32, #tpu.memory_space<vmem>> -> memref<1x1536xf32, #tpu.memory_space<vmem>>
    %dma_start3A_91 = tpu.memref_squeeze %dma_start3A_90 : memref<1x1536xf32, #tpu.memory_space<vmem>> -> memref<1536xf32, #tpu.memory_space<vmem>>
    tpu.enqueue_dma source(%dma_start3A_91 : memref<1536xf32, #tpu.memory_space<vmem>>) target(%dma_start3A_88 : memref<1536xf32, #tpu.memory_space<hbm>>) target_semaphore(%arg9 : memref<!tpu.dma_semaphore, #tpu.memory_space<semaphore_mem>>)
    %add3A_92 = arith.constant 0 : i32
    %add3A_93 = arith.addi %mul3A_2, %add3A_92 : i32
    %mul3A_94 = arith.constant 16 : i32
    %mul3A_95 = arith.muli %add3A_93, %mul3A_94 : i32
    %dma_wait3A_96 = arith.constant 0 : i32
    %dma_wait3A_97 = arith.constant 0 : i32
    %dma_wait3A_98 = tpu.memref_slice %arg5[%dma_wait3A_96, %dma_wait3A_97] : memref<2x1536xf32, #tpu.memory_space<vmem>> -> memref<1x1536xf32, #tpu.memory_space<vmem>>
    %dma_wait3A_99 = tpu.memref_squeeze %dma_wait3A_98 : memref<1x1536xf32, #tpu.memory_space<vmem>> -> memref<1536xf32, #tpu.memory_space<vmem>>
    %dma_wait3A_100 = tpu.memref_slice %arg3[%mul3A_95] : memref<98304xf32, #tpu.memory_space<hbm>> -> memref<1536xf32, #tpu.memory_space<hbm>>
    %dma_wait3A_101 = tpu.memref_slice %arg3[%mul3A_95] : memref<98304xf32, #tpu.memory_space<hbm>> -> memref<1536xf32, #tpu.memory_space<hbm>>
    %dma_wait3A_102 = arith.constant 0 : i32
    %dma_wait3A_103 = tpu.memref_slice %arg5[%dma_wait3A_96, %dma_wait3A_102] : memref<2x1536xf32, #tpu.memory_space<vmem>> -> memref<1x1536xf32, #tpu.memory_space<vmem>>
    %dma_wait3A_104 = tpu.memref_squeeze %dma_wait3A_103 : memref<1x1536xf32, #tpu.memory_space<vmem>> -> memref<1536xf32, #tpu.memory_space<vmem>>
    tpu.wait_dma2 semaphore(%arg8 : memref<!tpu.dma_semaphore, #tpu.memory_space<semaphore_mem>>) src(%dma_wait3A_104 : memref<1536xf32, #tpu.memory_space<vmem>>) dst(%dma_wait3A_101 : memref<1536xf32, #tpu.memory_space<hbm>>)
    %add3A_105 = arith.constant 96 : i32
    %add3A_106 = arith.addi %mul3A_2, %add3A_105 : i32
    %mul3A_107 = arith.constant 16 : i32
    %mul3A_108 = arith.muli %add3A_106, %mul3A_107 : i32
    %dma_wait3A_109 = arith.constant 1 : i32
    %dma_wait3A_110 = arith.constant 0 : i32
    %dma_wait3A_111 = tpu.memref_slice %arg5[%dma_wait3A_109, %dma_wait3A_110] : memref<2x1536xf32, #tpu.memory_space<vmem>> -> memref<1x1536xf32, #tpu.memory_space<vmem>>
    %dma_wait3A_112 = tpu.memref_squeeze %dma_wait3A_111 : memref<1x1536xf32, #tpu.memory_space<vmem>> -> memref<1536xf32, #tpu.memory_space<vmem>>
    %dma_wait3A_113 = tpu.memref_slice %arg3[%mul3A_108] : memref<98304xf32, #tpu.memory_space<hbm>> -> memref<1536xf32, #tpu.memory_space<hbm>>
    %dma_wait3A_114 = tpu.memref_slice %arg3[%mul3A_108] : memref<98304xf32, #tpu.memory_space<hbm>> -> memref<1536xf32, #tpu.memory_space<hbm>>
    %dma_wait3A_115 = arith.constant 0 : i32
    %dma_wait3A_116 = tpu.memref_slice %arg5[%dma_wait3A_109, %dma_wait3A_115] : memref<2x1536xf32, #tpu.memory_space<vmem>> -> memref<1x1536xf32, #tpu.memory_space<vmem>>
    %dma_wait3A_117 = tpu.memref_squeeze %dma_wait3A_116 : memref<1x1536xf32, #tpu.memory_space<vmem>> -> memref<1536xf32, #tpu.memory_space<vmem>>
    tpu.wait_dma2 semaphore(%arg9 : memref<!tpu.dma_semaphore, #tpu.memory_space<semaphore_mem>>) src(%dma_wait3A_117 : memref<1536xf32, #tpu.memory_space<vmem>>) dst(%dma_wait3A_114 : memref<1536xf32, #tpu.memory_space<hbm>>)
    return
  }
}

module attributes {stable_mosaic.version = 14 : i64} {
  func.func @_tc_body(%arg0: i32, %arg1: memref<2048x256xf32, #tpu.memory_space<vmem>>, %arg2: memref<16x2048xf32, #tpu.memory_space<vmem>>) attributes {dimension_semantics = [#tpu.dimension_semantics<arbitrary>], iteration_bounds = array<i64: 5>, scalar_prefetch = 0 : i64, scratch_operands = 0 : i64, tpu.core_type = #tpu.core_type<tc>, window_params = [{transform_indices = @transform_0, window_bounds = array<i64: 2048, 256>}, {transform_indices = @transform_1, window_bounds = array<i64: 16, 2048>}]} {
    %get3A = arith.constant 0 : index
    %get3A_0 = arith.constant 0 : index
    %get3A_1 = vector.load %arg1[%get3A, %get3A_0] : memref<2048x256xf32, #tpu.memory_space<vmem>>, vector<2048x128xf32>
    %get3A_2 = arith.constant 0 : index
    %get3A_3 = arith.constant 128 : index
    %get3A_4 = vector.load %arg1[%get3A_2, %get3A_3] : memref<2048x256xf32, #tpu.memory_space<vmem>>, vector<2048x128xf32>
    %max3A = arith.maximumf %get3A_1, %get3A_4 : vector<2048x128xf32>
    %slice3A = vector.extract_strided_slice %max3A {offsets = [0, 0], sizes = [2048, 64], strides = [1, 1]} : vector<2048x128xf32> to vector<2048x64xf32>
    %slice3A_5 = vector.extract_strided_slice %max3A {offsets = [0, 64], sizes = [2048, 64], strides = [1, 1]} : vector<2048x128xf32> to vector<2048x64xf32>
    %max3A_6 = arith.maximumf %slice3A, %slice3A_5 : vector<2048x64xf32>
    %slice3A_7 = vector.extract_strided_slice %max3A_6 {offsets = [0, 0], sizes = [2048, 32], strides = [1, 1]} : vector<2048x64xf32> to vector<2048x32xf32>
    %slice3A_8 = vector.extract_strided_slice %max3A_6 {offsets = [0, 32], sizes = [2048, 32], strides = [1, 1]} : vector<2048x64xf32> to vector<2048x32xf32>
    %max3A_9 = arith.maximumf %slice3A_7, %slice3A_8 : vector<2048x32xf32>
    %slice3A_10 = vector.extract_strided_slice %max3A_9 {offsets = [0, 0], sizes = [2048, 16], strides = [1, 1]} : vector<2048x32xf32> to vector<2048x16xf32>
    %slice3A_11 = vector.extract_strided_slice %max3A_9 {offsets = [0, 16], sizes = [2048, 16], strides = [1, 1]} : vector<2048x32xf32> to vector<2048x16xf32>
    %max3A_12 = arith.maximumf %slice3A_10, %slice3A_11 : vector<2048x16xf32>
    %transpose3A = tpu.transpose %max3A_12, [1, 0] : vector<2048x16xf32> -> vector<16x2048xf32>
    %swap3A = arith.constant 0 : index
    %swap3A_13 = arith.constant 0 : index
    %swap3A_14 = vector.load %arg2[%swap3A, %swap3A_13] : memref<16x2048xf32, #tpu.memory_space<vmem>>, vector<16x2048xf32>
    tpu.vector_store %arg2[%swap3A, %swap3A_13], %transpose3A {strides = array<i32>} : memref<16x2048xf32, #tpu.memory_space<vmem>>, vector<16x2048xf32>,
    return
  }
  func.func @transform_0(%arg0: i32) -> (i32, i32) {
    %add3A = arith.constant 3 : i32
    %add3A_0 = arith.addi %arg0, %add3A : i32
    %c0_i32 = arith.constant 0 : i32
    %c0_i32_1 = arith.constant 0 : i32
    return %add3A_0, %c0_i32 : i32, i32
  }
  func.func @transform_1(%arg0: i32) -> (i32, i32) {
    %c0_i32 = arith.constant 0 : i32
    %c0_i32_0 = arith.constant 0 : i32
    return %c0_i32, %arg0 : i32, i32
  }
}

</mosaic_0001>

<sc_bundles>
// kernel: kernel.4.cloned.1.call-start
scs
__scs_entry_jumppad:
0x0: {  	(pc) =	sbr.rel $0x88, $3  }
0x1: {  	(tag) =	ssettag $0x0;
	lr =	simm.s32 $0x1  }
0x2: {  	[smem:$0x3FA0] =	sst lr;
	_ =	strace $0xD0000000  }
0x3: {  	_ = 	snop  }
0x4: {  	_ = 	snop  }
0x5: {  	_ = 	snop  }
0x6: {  	_ = 	snop  }
0x7: {  	_ = 	snop  }
__scs_overlays_trampoline_lowered:
0x8: {  	[smem:$0x3FAF] =	sst s0  }
0x9: {  	[smem:$0x3FB0] =	sst s1  }
0xa: {  	[smem:$0x3FB1] =	sst s2  }
0xb: {  	[smem:$0x3FB2] =	sst s3  }
0xc: {  	[smem:$0x3FB3] =	sst s4  }
0xd: {  	[smem:$0x3FB4] =	sst s5  }
0xe: {  	[smem:$0x3FB5] =	sst s6  }
0xf: {  	[smem:$0x3FB6] =	sst s7  }
0x10: {  	[smem:$0x3FB7] =	sst s8  }
0x11: {  	[smem:$0x3FB8] =	sst s9;
	s0 =	simm.s32 @!p0 $0x0  }
0x12: {  	s1 =	sld [smem:$0x3F9E];
	s0 =	simm.s32 @p0 $0x1  }
0x13: {  	[smem:$0x3FB9] =	sst s0;
	s0 =	simm.s32 @!p1 $0x0  }
0x14: {  	s2 =	sld [smem:$0x3F9D];
	s0 =	simm.s32 @p1 $0x1  }
0x15: {  	[smem:$0x3FBA] =	sst s0;
	s0 =	simm.s32 @!p2 $0x0  }
0x16: {  	s3 =	sld [smem:$0x3FDB];
	s0 =	simm.s32 @p2 $0x1  }
0x17: {  	s4 =	simm.s32 $0x1BF5;
	[smem:$0x3FBC] =	sst s0  }
0x18: {  	s0 =	sld [smem:$0x3F9F];
	_ =	swait.ge [sflag:s4], $0x0  }
0x19: {  	s7 =	sld [smem:$0x3FA0]  }
0x1a: {  	s8 =	sadd.s32 $0xFFFFE003, lr  }
0x1b: {  	s9 =	sadd.s32 $0xFFFFFEF7, lr;
	s5 =	simm.s32 $0xFFFFFFFF;
	p2 =	slt.u32 s8, $0xFFFFF086  }
0x1c: {  	p1 =	slt.u32 s9, $0xF7A;
	s5 =	simm.s32 @!p2 $0x0  }
0x1d: {  	s5 =	simm.s32 @p1 $0x1;
	p0 =	seq.s32 s7, s2  }
0x1e: {  	s7 =	smul.u32 @!p0 $0xF7A, s2;
	p2 =	seq.s32 @!p0 s5, $0x0  }
0x1f: {  	s9 =	smul.u32 $0xF7A, s1;
	s8 =	simm.s32 @!p0 $0x1BF5;
	p2 =	por !p2, p0  }
0x20: {  	[sflag:s8] =	ssyncset.s32 @!p0 $0xFFFFF086;
	s6 =	sadd.s32 @!p0 s3, s7;
	s7 =	simm.s32 @!p0 $0x108  }
0x21: {  	s3 =	sadd.s32 s3, s9;
	s6 =	sadd.s32 @!p0 $0x88, s6;
	s7 =	simm.s32 @p2 $0x1082  }
0x22: {  	[simem:s7], [sflag:s8] =	dma.local @!p0 [hbm:s6], $0xF7A  }
0x23: {  	s9 =	sor.u32 $0xD0000000, s2;
	s6 =	simm.s32 $0x108;
	_ =	swait.ge @!p0 [sflag:s8], $0x0  }
0x24: {  	s3 =	sadd.s32 $0x88, s3;
	s6 =	simm.s32 @!p1 $0x1082;
	[sflag:s4] =	ssyncset.s32 $0xFFFFF086  }
0x25: {  	[simem:s6], [sflag:s4] =	dma.local [hbm:s3], $0xF7A  }
0x26: {  	[smem:$0x3FA0] =	sst s1;
	(tag) =	ssettag s2;
	_ =	strace s9  }
0x27: {  	s1 =	sld [smem:$0x3FB0]  }
0x28: {  	s2 =	sld [smem:$0x3FB1]  }
0x29: {  	s4 =	sld [smem:$0x3FB3]  }
0x2a: {  	p0 =	seq.s32 s5, $0x0;
	s5 =	sld [smem:$0x3FB4]  }
0x2b: {  	s6 =	sld [smem:$0x3FB5]  }
0x2c: {  	s7 =	sld [smem:$0x3FB6]  }
0x2d: {  	s3 =	simm.s32 $0x108;
	s8 =	sld [smem:$0x3FB7]  }
0x2e: {  	s3 =	simm.s32 @!p0 $0x1082;
	s9 =	sld [smem:$0x3FB8]  }
0x2f: {  	lr =	sadd.s32 s0, s3;
	s0 =	sld [smem:$0x3FAF]  }
0x30: {  	s3 =	sld [smem:$0x3FB2]  }
0x31: {  	[smem:$0x3FBB] =	sst s10  }
0x32: {  	s10 =	sld [smem:$0x3FB9];
	_ =	sdelay $0x3  }
0x33: {  	p0 =	seq.s32 s10, $0x1;
	s10 =	sld [smem:$0x3FBB];
	_ =	sdelay $0x3  }
0x34: {  	[smem:$0x3FBB] =	sst s10  }
0x35: {  	s10 =	sld [smem:$0x3FBA];
	_ =	sdelay $0x3  }
0x36: {  	p1 =	seq.s32 s10, $0x1;
	s10 =	sld [smem:$0x3FBB];
	_ =	sdelay $0x3  }
0x37: {  	[smem:$0x3FBB] =	sst s10  }
0x38: {  	s10 =	sld [smem:$0x3FBC]  }
0x39: {  	_ = 	snop;
	(pc) =	sbr.ind lr, $3  }
0x3a: {  	_ = 	snop  }
0x3b: {  	_ = 	snop  }
0x3c: {  	p2 =	seq.s32 s10, $0x1;
	s10 =	sld [smem:$0x3FBB]  }
0x3d: {  	_ =	shalt  }
0x3e: {  	_ =	shalt  }
0x3f: {  	_ =	shalt  }
0x40: {  	_ =	shalt  }
0x41: {  	_ =	shalt  }
0x42: {  	_ =	shalt  }
0x43: {  	_ =	shalt  }
0x44: {  	_ =	shalt  }
0x45: {  	_ =	shalt  }
0x46: {  	_ =	shalt  }
0x47: {  	_ =	shalt  }
0x48: {  	_ =	shalt  }
0x49: {  	_ =	shalt  }
0x4a: {  	_ =	shalt  }
0x4b: {  	_ =	shalt  }
0x4c: {  	_ =	shalt  }
0x4d: {  	_ =	shalt  }
0x4e: {  	_ =	shalt  }
0x4f: {  	_ =	shalt  }
0x50: {  	_ =	shalt  }
0x51: {  	_ =	shalt  }
0x52: {  	_ =	shalt  }
0x53: {  	_ =	shalt  }
0x54: {  	_ =	shalt  }
0x55: {  	_ =	shalt  }
0x56: {  	_ =	shalt  }
0x57: {  	_ =	shalt  }
0x58: {  	_ =	shalt  }
0x59: {  	_ =	shalt  }
0x5a: {  	_ =	shalt  }
0x5b: {  	_ =	shalt  }
0x5c: {  	_ =	shalt  }
0x5d: {  	_ =	shalt  }
0x5e: {  	_ =	shalt  }
0x5f: {  	_ =	shalt  }
0x60: {  	_ =	shalt  }
0x61: {  	_ =	shalt  }
0x62: {  	_ =	shalt  }
0x63: {  	_ =	shalt  }
0x64: {  	_ =	shalt  }
0x65: {  	_ =	shalt  }
0x66: {  	_ =	shalt  }
0x67: {  	_ =	shalt  }
0x68: {  	_ =	shalt  }
0x69: {  	_ =	shalt  }
0x6a: {  	_ =	shalt  }
0x6b: {  	_ =	shalt  }
0x6c: {  	_ =	shalt  }
0x6d: {  	_ =	shalt  }
0x6e: {  	_ =	shalt  }
0x6f: {  	_ =	shalt  }
0x70: {  	_ =	shalt  }
0x71: {  	_ =	shalt  }
0x72: {  	_ =	shalt  }
0x73: {  	_ =	shalt  }
0x74: {  	_ =	shalt  }
0x75: {  	_ =	shalt  }
0x76: {  	_ =	shalt  }
0x77: {  	_ =	shalt  }
0x78: {  	_ =	shalt  }
0x79: {  	_ =	shalt  }
0x7a: {  	_ =	shalt  }
0x7b: {  	_ =	shalt  }
0x7c: {  	_ =	shalt  }
0x7d: {  	_ =	shalt  }
0x7e: {  	_ =	shalt  }
0x7f: {  	_ =	shalt  }
0x80: {  	_ =	shalt  }
0x81: {  	_ =	shalt  }
0x82: {  	_ =	shalt  }
0x83: {  	_ =	shalt  }
0x84: {  	_ =	shalt  }
0x85: {  	_ =	shalt  }
0x86: {  	_ =	shalt  }
0x87: {  	_ =	shalt  }
.Lfunc_end0:
.L_simem_size_0:
called_computation_lowered:
.L_overlay_start_0:
0x88: {  	s2 =	sld [smem:$0x3FD9]  }
0x89: {  	s3 =	sld [smem:$0x3FFE];
	_ =	sdelay $0x1  }
0x8a: {  	s1 =	srdreg.scid  }
0x8b: {  	s0 =	sand.u32 $0x1, s1  }
0x8c: {  	s18 =	sshll.u32 s0, $0xA;
	s2 =	sadd.s32 s3, s2  }
0x8d: {  	s2 =	sadd.s32 s2, s18  }
0x8e: {  	[smem:$0x3FC7] =	sst s2  }
0x8f: {  	_ = 	snop  }
0x90: {  	s2 =	sld [smem:$0x3FC9]  }
0x91: {  	s19 =	sld [smem:$0x3FD0];
	(tm) =	ssettm $0x1  }
0x92: {  	s4 =	sld [smem:$0x3FFB];
	_ =	sdelay $0x3  }
0x93: {  	_ =	strace s4  }
0x94: {  	s4 =	sld [smem:$0x3FFC];
	_ =	sdelay $0x3  }
0x95: {  	_ =	strace s4  }
0x96: {  	s4 =	sld [smem:$0x3FFD];
	_ =	sdelay $0x3  }
0x97: {  	_ =	strace s4  }
0x98: {  	_ =	strace $0x8FFFFFFF  }
0x99: {  	s20 =	sld [smem:$0x3FDB];
	_ =	sdelay $0x1  }
0x9a: {  	s5 =	simm.s32 $_scs_section_size  }
0x9b: {  	s6 =	simm.s32 $_size__tile_overlayer_lowered;
	s7 =	simm.s32 $_tile_overlayer_lowered  }
0x9c: {  	s23 =	simm.s32 $0x1BFF;
	s22 =	sshll.u32 s7, $0x1;
	s4 =	sadd.s32 s5, s20  }
0x9d: {  	s8 =	simm.s32 $0x0;
	s21 =	sshll.u32 s6, $0x1;
	s6 =	sadd.s32 s22, s4  }
0x9e: {  	[timem:s8], [sflag:s23] =	dma.local [hbm:s6], s21  }
0x9f: {  	_ =	swait.ge [sflag:s23], s21  }
0xa0: {  	s5 =	ssub.s32 $0x0, s21;
	[sflag:s23] =	ssyncset.done $0x0  }
0xa1: {  	[sflag:s23] =	ssyncadd.s32 s5;
	_ =	sdelay $0x1  }
0xa2: {  	s24 =	simm.s32 $0x1B8B  }
0xa3: {  	_ =	swait.ge [sflag:s24], $0x1  }
0xa4: {  	[sflag:s24] =	ssyncset.done $0x0  }
0xa5: {  	s25 =	simm.s32 $0x1B8E;
	[sflag:s24] =	ssyncadd.s32 $0xFFFFFFFF  }
0xa6: {  	s26 =	simm.s32 $execute0_lowered;
	[smem:$0x3FD2] =	sst s25  }
0xa7: {  	s5 =	sshll.u32 s26, $0x1;
	_ =	strace $0x80000046;
	[dreg:$0x1] =	wrdreg $0xFFFFFFFF  }
0xa8: {  	s28 =	simm.s32 $_size_execute0_lowered;
	s4 =	sadd.s32 s4, s5;
	[dreg:$0x0] =	wrdreg $0x0  }
0xa9: {  	s5 =	sshll.u32 s28, $0x1;
	[dreg:$0x2] =	wrdreg s4  }
0xaa: {  	[dreg:$0x3] =	wrdreg s5  }
0xab: {  	[dreg:$0x4] =	wrdreg $0xC0  }
0xac: {  	_ =	task [dreg:s8], $0x5FFFF  }
0xad: {  	[dreg:$0x1] =	wrdreg $0xFFFFFFFF  }
0xae: {  	[dreg:$0x0] =	wrdreg $0x60  }
0xaf: {  	[dreg:$0x2] =	wrdreg s2  }
0xb0: {  	[dreg:$0x3] =	wrdreg s19  }
0xb1: {  	[dreg:$0x4] =	wrdreg $0x9  }
0xb2: {  	_ =	task.clear_ibuf [dreg:s8], $0x5FFFF;
	_ =	strace $0x90000046  }
0xb3: {  	s29 =	simm.s32 $0x9;
	_ =	strace $0x80000048  }
0xb4: {  	_ =	swait.ge [sflag:s29], $0x1  }
0xb5: {  	[sflag:s29] =	ssyncadd.s32 $0xFFFFFFFF  }
0xb6: {  	_ =	strace $0x90000048  }
0xb7: {  	_ =	sfence  }
0xb8: {  	s30 =	sld [smem:$0x0];
	_ =	sdelay $0x2  }
0xb9: {  	s31 =	sshll.u32 s1, $0xD;
	s1 =	sshrl.u32 s1, $0x2  }
0xba: {  	s3 =	sand.u32 $0x4000, s31;
	s1 =	sadd.s32 s1, s30  }
0xbb: {  	s0 =	sor.u32 s3, s0;
	s1 =	sshll.u32 s1, $0x11  }
0xbc: {  	s0 =	sor.u32 s1, s0  }
0xbd: {  	s0 =	sadd.s32 $0x8F2B, s0  }
0xbe: {  	[sflag:s0] =	ssyncadd.remote.s32 $0x1  }
0xbf: {  	_ =	sfence.sel $0xFFFF  }
0xc0: {  	[dreg:$0x0] =	wrdreg $0xFFFFFFFF;
	(pc) =	sbr.abs _section_cstart, $3  }
0xc1: {  	[dreg:$0x1] =	wrdreg $0xFFFFFFFF  }
0xc2: {  	_ =	task.clear_ibuf [dreg:s8], $0x2FFFF;
	_ =	strace $0x9FFFFFFF  }
0xc3: {  	(tm) =	ssettm $0x7FFFFFFF  }
tec
execute0_lowered:
.L_overlay_start_1:
0x0: {  	(tag) =	ssettag $0x1  }
0x1: {  	s1 =	srdreg.scid;
	s3 =	stileid.u32  }
0x2: {  	s1 =	sand.u32 $0x1, s1;
	s3 =	sshll.u32 s3, $0x1  }
0x3: {  	s0 =	rddreg [dreg:$0x0];
	s3 =	sor.u32 s1, s3  }
0x4: {  	s2 =	rddreg [dreg:$0x1];
	s4 =	smul.u32 $0xC0, s3  }
0x5: {  	s7 =	simm.s32 $0x0;
	s1 =	ssub.s32 $0x2, s1;
	s6 =	smul.u32 $0x1800, s3  }
0x6: {  	[smem:$0x7FF] =	sst s7;
	s5 =	sshrl.u32 s1, $0x1;
	s3 =	smul.u32 $0x180, s3  }
0x7: {  	_ =	strace $0x80000047;
	s1 =	ssub.s32 s1, s5;
	s6 =	sadd.s32 s0, s6  }
0x8: {  	s4 =	sadd.s32 $0x60, s4;
	s3 =	sadd.s32 s2, s3;
	[dreg:$0x9] =	wrdreg s6  }
0x9: {  	s31 =	smax.u32 s1, $0x1;
	s29 =	sshll.u32 s4, $0x5;
	[dreg:$0xb] =	wrdreg s3  }
0xa: {  	s30 =	sshll.u32 s4, $0x1;
	[dreg:$0xd] =	wrdreg s31;
	s0 =	sadd.s32 s0, s29  }
0xb: {  	[dreg:$0xa] =	wrdreg s0;
	s0 =	sadd.s32 s2, s30  }
0xc: {  	s2 =	simm.s32 $0x0;
	[dreg:$0xc] =	wrdreg s0  }
.LBB2_1:
0xd: {  	[dreg:$0xe] =	wrdreg s2  }
0xe: {  	s0 =	rddreg [dreg:$0x9]  }
0xf: {  	[tilespmem:s7], [sflag:$0x1] =	stream.linear.gather [hbm4b:s0+s7], $0x6000, $0x38;
	[tilespmem:$0xCC00] =	vst v63  }
0x10: {  	s6 =	rddreg [dreg:$0xa];
	s1 =	simm.s32 $0x6000;
	s8 =	simm.s32 $0x1  }
0x11: {  	[tilespmem:s1], [sflag:$0x2] =	stream.linear.gather [hbm4b:s6+s7], $0x6000, $0x38;
	[tilespmem:$0xCC00] =	vst v63  }
0x12: {  	s14 =	simm.s32 $0x180;
	_ =	swait.ge [sflag:s8], $0x6000  }
0x13: {  	s17 =	sand.u32 $0x7800, s7;
	s9 =	sand.u32 $0x380, s14;
	[sflag:s8] =	ssyncset.done $0x0  }
0x14: {  	s0 =	sor.u32 s9, s17;
	[sflag:s8] =	ssyncadd.s32 $0xFFFFA000  }
0x15: {  	v0 =	vld [tilespmem:s0+$0x0]  }
0x16: {  	v1 =	vld [tilespmem:s0+$0x10]  }
0x17: {  	v2 =	vld [tilespmem:s0+$0x20]  }
0x18: {  	s10 =	sand.u32 $0x7, s7;
	v3 =	vld [tilespmem:s0+$0x30]  }
0x19: {  	s1 =	sshll.u32 s10, $0x7;
	v4 =	vld [tilespmem:s0+$0x40]  }
0x1a: {  	s1 =	sadd.s32 $0x0, s1;
	v5 =	vld [tilespmem:s0+$0x50]  }
0x1b: {  	s11 =	sadd.s32 $0x180, s1;
	v6 =	vld [tilespmem:s0+$0x60]  }
0x1c: {  	s12 =	sor.u32 $0x400, s11;
	v7 =	vld [tilespmem:s0+$0x70]  }
0x1d: {  	s13 =	sor.u32 $0x410, s11;
	v8 =	vld [tilespmem:s12+$0x0]  }
0x1e: {  	s15 =	sor.u32 $0x420, s11;
	v9 =	vld [tilespmem:s13+$0x0]  }
0x1f: {  	s16 =	sor.u32 $0x430, s11;
	v10 =	vld [tilespmem:s15+$0x0]  }
0x20: {  	s18 =	sor.u32 $0x440, s11;
	v11 =	vld [tilespmem:s16+$0x0]  }
0x21: {  	s19 =	sor.u32 $0x450, s11;
	v12 =	vld [tilespmem:s18+$0x0]  }
0x22: {  	s20 =	sor.u32 $0x460, s11;
	v13 =	vld [tilespmem:s19+$0x0]  }
0x23: {  	s1 =	sadd.s32 $0x80, s1;
	s21 =	sor.u32 $0x470, s11;
	v14 =	vld [tilespmem:s20+$0x0]  }
0x24: {  	s22 =	sor.u32 $0x400, s1;
	v15 =	vld [tilespmem:s21+$0x0]  }
0x25: {  	s23 =	sor.u32 $0x410, s1;
	v16 =	vld [tilespmem:s22+$0x0]  }
0x26: {  	s24 =	sor.u32 $0x420, s1;
	v17 =	vld [tilespmem:s23+$0x0]  }
0x27: {  	s25 =	sor.u32 $0x430, s1;
	v18 =	vld [tilespmem:s24+$0x0]  }
0x28: {  	p0 =	por $0x0, $0x0;
	s2 =	simm.s32 $0x1;
	s3 =	sor.u32 $0x440, s1;
	v19 =	vld [tilespmem:s25+$0x0]  }
0x29: {  	s2 =	simm.s32 @!p0 $0x0;
	s30 =	sor.u32 $0x450, s1;
	v20 =	vld [tilespmem:s3+$0x0]  }
0x2a: {  	s2 =	sshll.u32 s2, $0x9;
	s31 =	sor.u32 $0x460, s1;
	v21 =	vld [tilespmem:s30+$0x0]  }
0x2b: {  	s1 =	sor.u32 $0x470, s1;
	v22 =	vld [tilespmem:s31+$0x0];
	s12 =	sadd.s32 $0x0, s2  }
0x2c: {  	v23 =	vld [tilespmem:s1+$0x0];
	s2 =	sor.u32 $0x400, s12  }
0x2d: {  	s13 =	sor.u32 $0x410, s12;
	v32 =	vld [tilespmem:s2+$0x0]  }
0x2e: {  	s15 =	sor.u32 $0x420, s12;
	v33 =	vld [tilespmem:s13+$0x0]  }
0x2f: {  	s16 =	sor.u32 $0x430, s12;
	v34 =	vld [tilespmem:s15+$0x0]  }
0x30: {  	s26 =	sand.u32 $0x3, s7;
	s18 =	sor.u32 $0x440, s12;
	v35 =	vld [tilespmem:s16+$0x0]  }
0x31: {  	s28 =	sshll.u32 s26, $0x8;
	s19 =	sor.u32 $0x450, s12;
	v36 =	vld [tilespmem:s18+$0x0]  }
0x32: {  	s0 =	sadd.s32 $0x0, s28;
	s21 =	sor.u32 $0x460, s12;
	v37 =	vld [tilespmem:s19+$0x0]  }
0x33: {  	s0 =	sadd.s32 $0x100, s0;
	s1 =	sor.u32 $0x470, s12;
	v38 =	vld [tilespmem:s21+$0x0]  }
0x34: {  	s4 =	sor.u32 $0x400, s0;
	v39 =	vld [tilespmem:s1+$0x0]  }
0x35: {  	s5 =	sor.u32 $0x410, s0;
	v24 =	vld [tilespmem:s4+$0x0]  }
0x36: {  	s6 =	sor.u32 $0x420, s0;
	v25 =	vld [tilespmem:s5+$0x0]  }
0x37: {  	s8 =	sor.u32 $0x430, s0;
	v26 =	vld [tilespmem:s6+$0x0]  }
0x38: {  	s9 =	sor.u32 $0x440, s0;
	v27 =	vld [tilespmem:s8+$0x0]  }
0x39: {  	s10 =	sor.u32 $0x450, s0;
	v28 =	vld [tilespmem:s9+$0x0]  }
0x3a: {  	s20 =	simm.s32 $0x0;
	s11 =	sor.u32 $0x460, s0;
	v29 =	vld [tilespmem:s10+$0x0]  }
0x3b: {  	s22 =	sand.u32 $0x200, s20;
	s0 =	sor.u32 $0x470, s0;
	v30 =	vld [tilespmem:s11+$0x0]  }
0x3c: {  	v31 =	vld [tilespmem:s0+$0x0];
	s0 =	sor.u32 s22, s17  }
0x3d: {  	s23 =	simm.s32 $0x80;
	v40 =	vld [tilespmem:s0+$0x0]  }
0x3e: {  	s1 =	sand.u32 $0x280, s23;
	v41 =	vld [tilespmem:s0+$0x10]  }
0x3f: {  	s1 =	sor.u32 s1, s17;
	v42 =	vld [tilespmem:s0+$0x20]  }
0x40: {  	v56 =	vld [tilespmem:s1+$0x30];
	v0 =	vmax.f32 v0, v1;
	v1 =	vmax.f32 v2, v3;
	v2 =	vmax.f32 v4, v5  }
0x41: {  	v59 =	vld [tilespmem:s1+$0x40];
	v4 =	vmax.f32 v6, v7;
	v5 =	vmax.f32 v8, v9;
	v6 =	vmax.f32 v10, v11  }
0x42: {  	v3 =	vld [tilespmem:s0+$0x30];
	v7 =	vmax.f32 v12, v13;
	v8 =	vmax.f32 v14, v15;
	v10 =	vmax.f32 v22, v23  }
0x43: {  	v9 =	vld [tilespmem:s0+$0x50];
	v0 =	vmax.f32 v0, v1;
	v2 =	vmax.f32 v2, v4;
	v4 =	vmax.f32 v5, v6  }
0x44: {  	v1 =	vld [tilespmem:s0+$0x40];
	v5 =	vmax.f32 v7, v8;
	v7 =	vmax.f32 v16, v17;
	v8 =	vmax.f32 v20, v21  }
0x45: {  	v6 =	vld [tilespmem:s0+$0x60];
	v0 =	vmax.f32 v0, v2;
	v2 =	vmax.f32 v4, v5;
	v5 =	vmax.f32 v18, v19  }
0x46: {  	v4 =	vld [tilespmem:s0+$0x70];
	v60 =	vmax.f32 v36, v37;
	v61 =	vmax.f32 v38, v39;
	v55 =	vmax.f32 v0, v2  }
0x47: {  	v11 =	vld [tilespmem:s1+$0x0];
	v0 =	vmax.f32 v7, v5;
	v2 =	vmax.f32 v8, v10;
	v7 =	vmax.f32 v26, v27  }
0x48: {  	s29 =	simm.s32 $0x0;
	s26 =	simm.s32 $0x0;
	v5 =	vld [tilespmem:s1+$0x10];
	v10 =	vmax.f32 v34, v35;
	v57 =	vmax.f32 v28, v29;
	v58 =	vmax.f32 v30, v31  }
0x49: {  	p0 =	por !p0, !p0;
	s24 =	simm.s32 $0x100;
	s30 =	simm.s32 $0x20;
	v8 =	vld [tilespmem:s1+$0x20];
	v0 =	vmax.f32 v0, v2;
	v2 =	vmax.f32 v24, v25;
	v62 =	vmax.f32 v40, v41  }
0x4a: {  	s25 =	sand.u32 $0xF00, s7;
	s31 =	sand.u32 $0x60, s30;
	s20 =	simm.s32 $0x0;
	v63 =	vld [tilespmem:s1+$0x50];
	v7 =	vmax.f32 v2, v7;
	v2 =	vmax.f32 v32, v33;
	v3 =	vmax.f32 v42, v3  }
0x4b: {  	s15 =	simm.s32 $0x30;
	s2 =	sor.u32 $0xC000, s25;
	s0 =	sand.u32 $0x300, s24;
	v10 =	vmax.f32 v2, v10;
	v1 =	vmax.f32 v1, v9;
	v2 =	vld [tilespmem:s1+$0x60];
	v4 =	vmax.f32 v6, v4  }
0x4c: {  	s18 =	simm.s32 $0x0;
	s28 =	sand.u32 $0x70, s15;
	s21 =	sor.u32 s0, s17;
	v3 =	vmax.f32 v62, v3;
	v6 =	vmax.f32 v60, v61;
	v1 =	vmax.f32 v1, v4;
	v4 =	vld [tilespmem:s1+$0x70]  }
0x4d: {  	s4 =	simm.s32 $0x10;
	s3 =	sor.u32 s28, s2;
	s0 =	sand.u32 $0x40, s26;
	v9 =	vmax.f32 v57, v58;
	v6 =	vmax.f32 v10, v6;
	v1 =	vmax.f32 v3, v1;
	v3 =	vld [tilespmem:s21+$0x0]  }
0x4e: {  	s19 =	simm.s32 $0x0;
	s4 =	sand.u32 $0x50, s4;
	s0 =	sor.u32 s0, s2;
	[tilespmem:s3+$0x0] =	vst v55;
	v5 =	vmax.f32 v11, v5;
	v8 =	vmax.f32 v8, v56;
	v10 =	vmax.f32 v1, v6;
	v6 =	vld [tilespmem:s21+$0x10]  }
0x4f: {  	s23 =	sor.u32 s31, s2;
	s24 =	sor.u32 s4, s2;
	s17 =	simm.s32 $0x0;
	v1 =	vmax.f32 v7, v9;
	v7 =	vmax.f32 v5, v8;
	v8 =	vmax.f32 v59, v63;
	v5 =	vld [tilespmem:s21+$0x20];
	[tilespmem:s0+$0x0] =	vst v10  }
.LBB2_2:
0x50: {  	s14 =	sadd.s32 $0x200, s14;
	s18 =	sadd.s32 $0x400, s18  }
0x51: {  	v9 =	vld [tilespmem:s21+$0x30];
	s17 =	sadd.s32 $0x2, s17;
	s3 =	sand.u32 $0x7800, s18;
	s2 =	sand.u32 $0x380, s14  }
0x52: {  	s1 =	sand.u32 $0x3, s17;
	s9 =	sor.u32 s2, s3;
	v2 =	vmax.f32 v2, v4;
	v4 =	vld [tilespmem:s21+$0x40]  }
0x53: {  	s19 =	sadd.s32 $0x4, s19;
	s7 =	sadd.s32 $0xFFFFFF00, s14;
	s1 =	sshll.u32 s1, $0x8;
	v3 =	vmax.f32 v3, v6;
	v6 =	vld [tilespmem:s9+$0x0]  }
0x54: {  	s25 =	sand.u32 $0x280, s7;
	s7 =	sand.u32 $0x7, s19;
	s1 =	sadd.s32 s18, s1;
	v2 =	vmax.f32 v8, v2;
	v8 =	vld [tilespmem:s21+$0x50]  }
0x55: {  	s4 =	sadd.s32 $0xFFFFFE80, s14;
	s13 =	sshll.u32 s7, $0x7;
	s11 =	sadd.s32 $0x100, s1;
	v2 =	vmax.f32 v7, v2;
	v7 =	vld [tilespmem:s21+$0x60]  }
0x56: {  	s10 =	sand.u32 $0x200, s4;
	s4 =	sadd.s32 s18, s13;
	s22 =	sor.u32 $0x460, s11;
	v0 =	vmax.f32 v2, v0;
	v2 =	vld [tilespmem:s21+$0x70]  }
0x57: {  	[dreg:$0x8] =	wrdreg s22;
	s22 =	sadd.s32 $0x180, s4;
	[tilespmem:s24+$0x0] =	vst v0;
	v0 =	vmax.f32 v5, v9;
	v5 =	vld [tilespmem:s9+$0x10]  }
0x58: {  	s0 =	simm.s32 $0x1;
	s16 =	sor.u32 $0x450, s11;
	s13 =	sor.u32 $0x430, s22;
	v9 =	vld [tilespmem:s9+$0x40]  }
0x59: {  	s6 =	sor.u32 $0x410, s11;
	[dreg:$0x4] =	wrdreg s16;
	s16 =	sor.u32 $0x440, s22;
	v11 =	vld [tilespmem:s13+$0x0]  }
0x5a: {  	s1 =	sor.u32 $0x420, s11;
	s8 =	sor.u32 $0x430, s11;
	s30 =	sor.u32 $0x440, s11;
	v12 =	vld [tilespmem:s16+$0x0]  }
0x5b: {  	s26 =	sor.u32 $0x470, s11;
	s24 =	sor.u32 $0x400, s11;
	s11 =	sor.u32 $0x420, s22;
	v0 =	vmax.f32 v3, v0;
	v3 =	vld [tilespmem:s9+$0x20]  }
0x5c: {  	s5 =	sadd.s32 $0xFFFFFF80, s14;
	s28 =	sadd.s32 $0x80, s4;
	s16 =	sor.u32 $0x460, s22;
	v10 =	vld [tilespmem:s11+$0x0]  }
0x5d: {  	s0 =	simm.s32 @!p0 $0x0;
	s12 =	sand.u32 $0x300, s5;
	s5 =	sor.u32 $0x400, s28;
	v14 =	vld [tilespmem:s16+$0x0]  }
0x5e: {  	s0 =	sshll.u32 s0, $0x9;
	[dreg:$0x3] =	wrdreg s6;
	s6 =	sor.u32 $0x410, s28;
	v16 =	vld [tilespmem:s5+$0x0]  }
0x5f: {  	s21 =	sadd.s32 s0, s18;
	s0 =	sor.u32 $0x420, s28;
	v17 =	vld [tilespmem:s6+$0x0]  }
0x60: {  	v18 =	vld [tilespmem:s0+$0x0]  }
0x61: {  	s16 =	sor.u32 $0x470, s22;
	v4 =	vmax.f32 v4, v8;
	v8 =	vld [tilespmem:s9+$0x30]  }
0x62: {  	v15 =	vld [tilespmem:s16+$0x0]  }
0x63: {  	v2 =	vmax.f32 v7, v2;
	v7 =	vld [tilespmem:s9+$0x50]  }
0x64: {  	[dreg:$0x7] =	wrdreg s1;
	v2 =	vmax.f32 v4, v2;
	v4 =	vld [tilespmem:s9+$0x60]  }
0x65: {  	[dreg:$0x6] =	wrdreg s8;
	s1 =	sor.u32 $0x430, s28;
	s4 =	sor.u32 $0x400, s22;
	v0 =	vmax.f32 v0, v2;
	v2 =	vld [tilespmem:s9+$0x70]  }
0x66: {  	s2 =	sor.u32 $0x450, s28;
	s8 =	sor.u32 $0x460, s28;
	s9 =	sor.u32 $0x410, s22;
	v0 =	vmax.f32 v0, v1;
	v1 =	vld [tilespmem:s4+$0x0]  }
0x67: {  	s7 =	sor.u32 $0x470, s28;
	[tilespmem:s23+$0x0] =	vst v0;
	s23 =	sor.u32 $0x440, s28;
	v0 =	vld [tilespmem:s9+$0x0];
	s28 =	sor.u32 $0x450, s22  }
0x68: {  	v13 =	vld [tilespmem:s28+$0x0]  }
0x69: {  	v5 =	vmax.f32 v6, v5;
	v6 =	vmax.f32 v9, v7;
	v7 =	vld [tilespmem:s1+$0x0]  }
0x6a: {  	s10 =	sor.u32 s10, s3;
	v9 =	vld [tilespmem:s2+$0x0]  }
0x6b: {  	v3 =	vmax.f32 v3, v8;
	v2 =	vmax.f32 v4, v2;
	v4 =	vmax.f32 v10, v11;
	v10 =	vld [tilespmem:s10+$0x40]  }
0x6c: {  	s20 =	sadd.s32 $0x80, s20;
	v2 =	vmax.f32 v6, v2;
	v0 =	vmax.f32 v1, v0;
	v1 =	vmax.f32 v5, v3;
	v3 =	vld [tilespmem:s23+$0x0]  }
0x6d: {  	s15 =	sadd.s32 $0x40, s15;
	[dreg:$0x5] =	wrdreg s26;
	s31 =	sor.u32 $0x400, s21;
	v8 =	vmax.f32 v14, v15;
	v5 =	vmax.f32 v12, v13;
	v1 =	vmax.f32 v1, v2;
	v2 =	vld [tilespmem:s7+$0x0]  }
0x6e: {  	s13 =	sor.u32 $0x410, s21;
	s26 =	sor.u32 $0x420, s21;
	s5 =	sand.u32 $0xF00, s20;
	v0 =	vmax.f32 v0, v4;
	v4 =	vmax.f32 v5, v8;
	v5 =	vld [tilespmem:s8+$0x0]  }
0x6f: {  	s11 =	sor.u32 $0x430, s21;
	s0 =	sor.u32 $0xC000, s5;
	s8 =	sand.u32 $0x70, s15;
	v8 =	vld [tilespmem:s31+$0x0]  }
0x70: {  	s6 =	sadd.s32 $0xFFFFFFD0, s15;
	v0 =	vmax.f32 v0, v4;
	s2 =	sor.u32 s8, s0;
	v4 =	vld [tilespmem:s24+$0x0];
	s8 =	rddreg [dreg:$0x6]  }
0x71: {  	s4 =	sor.u32 $0x450, s21;
	s1 =	sand.u32 $0x40, s6;
	s6 =	rddreg [dreg:$0x3];
	v6 =	vmax.f32 v16, v17;
	v0 =	vmax.f32 v1, v0;
	v1 =	vmax.f32 v18, v7;
	v7 =	vld [tilespmem:s8+$0x0]  }
0x72: {  	s9 =	sor.u32 $0x440, s21;
	s22 =	sor.u32 $0x470, s21;
	s7 =	rddreg [dreg:$0x7];
	[tilespmem:s2+$0x0] =	vst v0;
	v0 =	vmax.f32 v6, v1;
	v1 =	vld [tilespmem:s6+$0x0]  }
0x73: {  	s28 =	sor.u32 $0x460, s21;
	s21 =	sor.u32 s12, s3;
	s12 =	sadd.s32 $0xFFFFFFE0, s15;
	v6 =	vld [tilespmem:s7+$0x0]  }
0x74: {  	s16 =	sadd.s32 $0xFFFFFFF0, s15;
	s23 =	sand.u32 $0x50, s12;
	s12 =	rddreg [dreg:$0x4];
	v3 =	vmax.f32 v3, v9;
	v2 =	vmax.f32 v5, v2;
	v5 =	vld [tilespmem:s30+$0x0]  }
0x75: {  	s5 =	sand.u32 $0x60, s16;
	s16 =	rddreg [dreg:$0x8];
	v2 =	vmax.f32 v3, v2;
	v3 =	vld [tilespmem:s12+$0x0]  }
0x76: {  	s30 =	rddreg [dreg:$0x5];
	v0 =	vmax.f32 v0, v2;
	v2 =	vld [tilespmem:s16+$0x0]  }
0x77: {  	v1 =	vmax.f32 v4, v1;
	v4 =	vld [tilespmem:s30+$0x0]  }
0x78: {  	v9 =	vld [tilespmem:s9+$0x0]  }
0x79: {  	v6 =	vmax.f32 v6, v7;
	v7 =	vld [tilespmem:s13+$0x0]  }
0x7a: {  	v1 =	vmax.f32 v1, v6;
	v6 =	vld [tilespmem:s26+$0x0]  }
0x7b: {  	v3 =	vmax.f32 v5, v3;
	v5 =	vld [tilespmem:s11+$0x0]  }
0x7c: {  	v2 =	vmax.f32 v2, v4;
	v4 =	vld [tilespmem:s4+$0x0]  }
0x7d: {  	v2 =	vmax.f32 v3, v2;
	v3 =	vld [tilespmem:s28+$0x0]  }
0x7e: {  	v1 =	vmax.f32 v1, v2;
	v2 =	vld [tilespmem:s22+$0x0]  }
0x7f: {  	v7 =	vmax.f32 v8, v7;
	v8 =	vld [tilespmem:s10+$0x0]  }
0x80: {  	v5 =	vmax.f32 v6, v5;
	v6 =	vld [tilespmem:s10+$0x10]  }
0x81: {  	v5 =	vmax.f32 v7, v5;
	v7 =	vld [tilespmem:s10+$0x20]  }
0x82: {  	v4 =	vmax.f32 v9, v4;
	v9 =	vld [tilespmem:s10+$0x30]  }
0x83: {  	v2 =	vmax.f32 v3, v2;
	v3 =	vld [tilespmem:s10+$0x50]  }
0x84: {  	v2 =	vmax.f32 v4, v2;
	v4 =	vld [tilespmem:s10+$0x60]  }
0x85: {  	s25 =	sor.u32 s25, s3;
	v5 =	vmax.f32 v5, v2;
	v2 =	vld [tilespmem:s10+$0x70]  }
0x86: {  	v6 =	vmax.f32 v8, v6;
	v8 =	vld [tilespmem:s25+$0x0]  }
0x87: {  	v7 =	vmax.f32 v7, v9;
	v9 =	vld [tilespmem:s25+$0x20]  }
0x88: {  	v6 =	vmax.f32 v6, v7;
	v7 =	vld [tilespmem:s25+$0x10]  }
0x89: {  	v3 =	vmax.f32 v10, v3;
	v10 =	vld [tilespmem:s25+$0x30]  }
0x8a: {  	s29 =	sadd.s32 $0x4, s29;
	v63 =	vld [tilespmem:s25+$0x50];
	v2 =	vmax.f32 v4, v2  }
0x8b: {  	p1 =	slt.u32 s29, $0x5C;
	v11 =	vld [tilespmem:s25+$0x40];
	v2 =	vmax.f32 v3, v2  }
.Ltmp0:
0x8c: {  	v4 =	vld [tilespmem:s25+$0x70];
	v3 =	vmax.f32 v6, v2;
	(pc) =	sbr.rel @p1 .LBB2_2-.Ltmp0, $4  }
0x8d: {  	s2 =	sor.u32 s1, s0;
	v2 =	vld [tilespmem:s25+$0x60];
	v3 =	vmax.f32 v3, v5  }
0x8e: {  	v6 =	vmax.f32 v8, v7;
	v5 =	vmax.f32 v9, v10;
	[tilespmem:s2+$0x0] =	vst v3;
	v3 =	vld [tilespmem:s21+$0x0]  }
0x8f: {  	v7 =	vmax.f32 v6, v5;
	v6 =	vld [tilespmem:s21+$0x10]  }
0x90: {  	p0 =	por !p0, !p0;
	s24 =	sor.u32 s23, s0;
	s23 =	sor.u32 s5, s0;
	v8 =	vmax.f32 v11, v63;
	v5 =	vld [tilespmem:s21+$0x20]  }
0x91: {  	v9 =	vld [tilespmem:s21+$0x30]  }
0x92: {  	v10 =	vld [tilespmem:s21+$0x40]  }
0x93: {  	v11 =	vld [tilespmem:s21+$0x50]  }
0x94: {  	v12 =	vld [tilespmem:s21+$0x60]  }
0x95: {  	v13 =	vld [tilespmem:s21+$0x70];
	_ =	sdelay $0x2  }
0x96: {  	v2 =	vmax.f32 v2, v4  }
0x97: {  	v2 =	vmax.f32 v8, v2;
	v3 =	vmax.f32 v3, v6  }
0x98: {  	v4 =	vmax.f32 v5, v9;
	v5 =	vmax.f32 v10, v11;
	v6 =	vmax.f32 v12, v13  }
0x99: {  	v2 =	vmax.f32 v7, v2;
	v3 =	vmax.f32 v3, v4;
	v4 =	vmax.f32 v5, v6  }
0x9a: {  	v0 =	vmax.f32 v2, v0;
	v2 =	vmax.f32 v3, v4  }
0x9b: {  	[tilespmem:s24+$0x0] =	vst v0;
	v0 =	vmax.f32 v2, v1  }
0x9c: {  	[tilespmem:s23+$0x0] =	vst v0  }
0x9d: {  	s14 =	simm.s32 $0x0;
	s0 =	simm.s32 $0xC000;
	s1 =	rddreg [dreg:$0xb]  }
0x9e: {  	[hbm4b:s1+s14] =	stream.linear.scatter [tilespmem:s0], [sflag:$0x3], $0x80, $0x38;
	[tilespmem:$0xCC00] =	vst v63  }
0x9f: {  	s2 =	simm.s32 $0xC100;
	s31 =	sadd.s32 $0x10, s1  }
0xa0: {  	[hbm4b:s31+s14] =	stream.linear.scatter [tilespmem:s2], [sflag:$0x3], $0x80, $0x38;
	[tilespmem:$0xCC00] =	vst v63  }
0xa1: {  	s3 =	simm.s32 $0xC200;
	s2 =	sadd.s32 $0x20, s1  }
0xa2: {  	[hbm4b:s2+s14] =	stream.linear.scatter [tilespmem:s3], [sflag:$0x3], $0x80, $0x38;
	[tilespmem:$0xCC00] =	vst v63  }
0xa3: {  	s5 =	simm.s32 $0xC300;
	s4 =	sadd.s32 $0x30, s1  }
0xa4: {  	[hbm4b:s4+s14] =	stream.linear.scatter [tilespmem:s5], [sflag:$0x3], $0x80, $0x38;
	[tilespmem:$0xCC00] =	vst v63  }
0xa5: {  	s7 =	simm.s32 $0xC400;
	s6 =	sadd.s32 $0x40, s1  }
0xa6: {  	[hbm4b:s6+s14] =	stream.linear.scatter [tilespmem:s7], [sflag:$0x3], $0x80, $0x38;
	[tilespmem:$0xCC00] =	vst v63  }
0xa7: {  	s9 =	simm.s32 $0xC500;
	s8 =	sadd.s32 $0x50, s1  }
0xa8: {  	[hbm4b:s8+s14] =	stream.linear.scatter [tilespmem:s9], [sflag:$0x3], $0x80, $0x38;
	[tilespmem:$0xCC00] =	vst v63  }
0xa9: {  	s11 =	simm.s32 $0xC600;
	s10 =	sadd.s32 $0x60, s1  }
0xaa: {  	[hbm4b:s10+s14] =	stream.linear.scatter [tilespmem:s11], [sflag:$0x3], $0x80, $0x38;
	[tilespmem:$0xCC00] =	vst v63  }
0xab: {  	s13 =	simm.s32 $0xC700;
	s12 =	sadd.s32 $0x70, s1  }
0xac: {  	[hbm4b:s12+s14] =	stream.linear.scatter [tilespmem:s13], [sflag:$0x3], $0x80, $0x38;
	[tilespmem:$0xCC00] =	vst v63  }
0xad: {  	s16 =	simm.s32 $0xC800;
	s15 =	sadd.s32 $0x80, s1  }
0xae: {  	[hbm4b:s15+s14] =	stream.linear.scatter [tilespmem:s16], [sflag:$0x3], $0x80, $0x38;
	[tilespmem:$0xCC00] =	vst v63  }
0xaf: {  	s18 =	simm.s32 $0xC900;
	s17 =	sadd.s32 $0x90, s1  }
0xb0: {  	[hbm4b:s17+s14] =	stream.linear.scatter [tilespmem:s18], [sflag:$0x3], $0x80, $0x38;
	[tilespmem:$0xCC00] =	vst v63  }
0xb1: {  	s20 =	simm.s32 $0xCA00;
	s19 =	sadd.s32 $0xA0, s1  }
0xb2: {  	[hbm4b:s19+s14] =	stream.linear.scatter [tilespmem:s20], [sflag:$0x3], $0x80, $0x38;
	[tilespmem:$0xCC00] =	vst v63  }
0xb3: {  	s22 =	simm.s32 $0xCB00;
	s21 =	sadd.s32 $0xB0, s1;
	s3 =	simm.s32 $0x2  }
0xb4: {  	[hbm4b:s21+s14] =	stream.linear.scatter [tilespmem:s22], [sflag:$0x3], $0x80, $0x38;
	[tilespmem:$0xCC00] =	vst v63  }
0xb5: {  	s24 =	sand.u32 $0x7800, s14;
	s23 =	simm.s32 $0x180;
	_ =	swait.ge [sflag:s3], $0x6000  }
0xb6: {  	s25 =	sadd.s32 $0x6000, s24;
	s1 =	sand.u32 $0x380, s23;
	[sflag:s3] =	ssyncset.done $0x0  }
0xb7: {  	s26 =	sor.u32 s1, s25;
	[sflag:s3] =	ssyncadd.s32 $0xFFFFA000  }
0xb8: {  	v0 =	vld [tilespmem:s26+$0x0];
	_ =	sdelay $0x4  }
0xb9: {  	[tilespmem:$0x1FE70] =	vst v0  }
0xba: {  	v0 =	vld [tilespmem:s26+$0x40];
	_ =	sdelay $0x2  }
0xbb: {  	v52 =	vld [tilespmem:s26+$0x10]  }
0xbc: {  	v54 =	vld [tilespmem:s26+$0x20]  }
0xbd: {  	v38 =	vld [tilespmem:s26+$0x30];
	[tilespmem:$0x1FE80] =	vst v0  }
0xbe: {  	v40 =	vld [tilespmem:s26+$0x50]  }
0xbf: {  	s2 =	sadd.s32 $0x6400, s24;
	v34 =	vld [tilespmem:s26+$0x60]  }
0xc0: {  	s1 =	sor.u32 s1, s2;
	v22 =	vld [tilespmem:s26+$0x70]  }
0xc1: {  	v20 =	vld [tilespmem:s1+$0x0]  }
0xc2: {  	v9 =	vld [tilespmem:s1+$0x10]  }
0xc3: {  	v10 =	vld [tilespmem:s1+$0x20]  }
0xc4: {  	v11 =	vld [tilespmem:s1+$0x30]  }
0xc5: {  	s28 =	simm.s32 $0x0;
	v12 =	vld [tilespmem:s1+$0x40]  }
0xc6: {  	s3 =	sand.u32 $0x200, s28;
	v13 =	vld [tilespmem:s1+$0x50]  }
0xc7: {  	s4 =	sor.u32 s3, s25;
	v14 =	vld [tilespmem:s1+$0x60]  }
0xc8: {  	v0 =	vld [tilespmem:s4+$0x40]  }
0xc9: {  	v15 =	vld [tilespmem:s1+$0x70]  }
0xca: {  	v16 =	vld [tilespmem:s4+$0x0]  }
0xcb: {  	v17 =	vld [tilespmem:s4+$0x10]  }
0xcc: {  	v18 =	vld [tilespmem:s4+$0x20]  }
0xcd: {  	v19 =	vld [tilespmem:s4+$0x30];
	[tilespmem:$0x1FE90] =	vst v0  }
0xce: {  	v36 =	vld [tilespmem:s4+$0x50]  }
0xcf: {  	v37 =	vld [tilespmem:s4+$0x60]  }
0xd0: {  	s29 =	sor.u32 s3, s2;
	v23 =	vld [tilespmem:s4+$0x70]  }
0xd1: {  	s30 =	simm.s32 $0x80;
	v24 =	vld [tilespmem:s29+$0x0]  }
0xd2: {  	s3 =	sand.u32 $0x280, s30;
	v25 =	vld [tilespmem:s29+$0x10]  }
0xd3: {  	s31 =	sor.u32 s3, s25;
	v35 =	vld [tilespmem:s29+$0x20]  }
0xd4: {  	v0 =	vld [tilespmem:s31+$0x0]  }
0xd5: {  	v27 =	vld [tilespmem:s29+$0x30]  }
0xd6: {  	v28 =	vld [tilespmem:s29+$0x40]  }
0xd7: {  	v29 =	vld [tilespmem:s29+$0x50]  }
0xd8: {  	v30 =	vld [tilespmem:s29+$0x60]  }
0xd9: {  	v31 =	vld [tilespmem:s29+$0x70];
	[tilespmem:$0x1FEA0] =	vst v0  }
0xda: {  	v0 =	vld [tilespmem:s31+$0x10];
	_ =	sdelay $0x4  }
0xdb: {  	[tilespmem:$0x1FEB0] =	vst v0  }
0xdc: {  	v0 =	vld [tilespmem:s31+$0x20];
	_ =	sdelay $0x4  }
0xdd: {  	[tilespmem:$0x1FEC0] =	vst v0  }
0xde: {  	v0 =	vld [tilespmem:s31+$0x30];
	_ =	sdelay $0x4  }
0xdf: {  	[tilespmem:$0x1FED0] =	vst v0  }
0xe0: {  	v0 =	vld [tilespmem:s31+$0x40];
	_ =	sdelay $0x4  }
0xe1: {  	[tilespmem:$0x1FEE0] =	vst v0  }
0xe2: {  	v0 =	vld [tilespmem:s31+$0x50];
	_ =	sdelay $0x4  }
0xe3: {  	[tilespmem:$0x1FEF0] =	vst v0  }
0xe4: {  	v0 =	vld [tilespmem:s31+$0x60];
	_ =	sdelay $0x4  }
0xe5: {  	s5 =	sor.u32 s3, s2;
	[tilespmem:$0x1FF00] =	vst v0  }
0xe6: {  	v0 =	vld [tilespmem:s5+$0x0];
	_ =	sdelay $0x4  }
0xe7: {  	v53 =	vld [tilespmem:s31+$0x70];
	[tilespmem:$0x1FF10] =	vst v0  }
0xe8: {  	v0 =	vld [tilespmem:s5+$0x10];
	_ =	sdelay $0x4  }
0xe9: {  	[tilespmem:$0x1FF20] =	vst v0  }
0xea: {  	v0 =	vld [tilespmem:s5+$0x20];
	_ =	sdelay $0x4  }
0xeb: {  	[tilespmem:$0x1FF30] =	vst v0  }
0xec: {  	v0 =	vld [tilespmem:s5+$0x40];
	_ =	sdelay $0x4  }
0xed: {  	s6 =	simm.s32 $0x100;
	v43 =	vld [tilespmem:s5+$0x30];
	[tilespmem:$0x1FF40] =	vst v0  }
0xee: {  	s3 =	sand.u32 $0x300, s6;
	v45 =	vld [tilespmem:s5+$0x50]  }
0xef: {  	s0 =	sor.u32 s3, s25;
	v46 =	vld [tilespmem:s5+$0x60]  }
0xf0: {  	v0 =	vld [tilespmem:s0+$0x40]  }
0xf1: {  	v47 =	vld [tilespmem:s5+$0x70]  }
0xf2: {  	v48 =	vld [tilespmem:s0+$0x0]  }
0xf3: {  	v49 =	vld [tilespmem:s0+$0x10]  }
0xf4: {  	v50 =	vld [tilespmem:s0+$0x20]  }
0xf5: {  	v51 =	vld [tilespmem:s0+$0x30];
	[tilespmem:$0x1FF50] =	vst v0  }
0xf6: {  	v0 =	vld [tilespmem:s0+$0x50];
	_ =	sdelay $0x4  }
0xf7: {  	[tilespmem:$0x1FF60] =	vst v0  }
0xf8: {  	v0 =	vld [tilespmem:s0+$0x60];
	_ =	sdelay $0x4  }
0xf9: {  	[tilespmem:$0x1FF70] =	vst v0  }
0xfa: {  	s7 =	sor.u32 s3, s2;
	v55 =	vld [tilespmem:s0+$0x70]  }
0xfb: {  	v56 =	vld [tilespmem:s7+$0x0]  }
0xfc: {  	v57 =	vld [tilespmem:s7+$0x10]  }
0xfd: {  	v58 =	vld [tilespmem:s7+$0x20]  }
0xfe: {  	v59 =	vld [tilespmem:s7+$0x30]  }
0xff: {  	s8 =	simm.s32 $0x400;
	v60 =	vld [tilespmem:s7+$0x40]  }
0x100: {  	s15 =	simm.s32 $0x380;
	s0 =	sand.u32 $0x7800, s8;
	v61 =	vld [tilespmem:s7+$0x50]  }
0x101: {  	s9 =	sand.u32 $0x380, s15;
	v62 =	vld [tilespmem:s7+$0x60];
	s16 =	sadd.s32 $0x6000, s0  }
0x102: {  	v63 =	vld [tilespmem:s7+$0x70];
	s10 =	sor.u32 s9, s16  }
0x103: {  	v44 =	vld [tilespmem:s10+$0x0]  }
0x104: {  	v41 =	vld [tilespmem:s10+$0x10]  }
0x105: {  	v39 =	vld [tilespmem:s10+$0x20]  }
0x106: {  	v32 =	vld [tilespmem:s10+$0x30]  }
0x107: {  	v33 =	vld [tilespmem:s10+$0x40]  }
0x108: {  	v21 =	vld [tilespmem:s10+$0x50]  }
0x109: {  	s17 =	sadd.s32 $0x6400, s0;
	v26 =	vld [tilespmem:s10+$0x60]  }
0x10a: {  	s0 =	sor.u32 s9, s17;
	v6 =	vld [tilespmem:s10+$0x70]  }
0x10b: {  	s11 =	simm.s32 $0x200;
	v8 =	vld [tilespmem:s0+$0x0]  }
0x10c: {  	s1 =	sand.u32 $0x200, s11;
	v4 =	vld [tilespmem:s0+$0x10]  }
0x10d: {  	s12 =	sor.u32 s1, s16;
	v7 =	vld [tilespmem:s0+$0x20]  }
0x10e: {  	v42 =	vld [tilespmem:s12+$0x0]  }
0x10f: {  	v3 =	vld [tilespmem:s0+$0x30]  }
0x110: {  	v5 =	vld [tilespmem:s0+$0x40]  }
0x111: {  	v2 =	vld [tilespmem:s0+$0x50]  }
0x112: {  	v1 =	vld [tilespmem:s0+$0x60]  }
0x113: {  	v0 =	vld [tilespmem:s0+$0x70];
	[tilespmem:$0x1FF80] =	vst v42  }
0x114: {  	v42 =	vld [tilespmem:s12+$0x10];
	_ =	sdelay $0x4  }
0x115: {  	[tilespmem:$0x1FF90] =	vst v42  }
0x116: {  	v42 =	vld [tilespmem:s12+$0x20];
	_ =	sdelay $0x4  }
0x117: {  	[tilespmem:$0x1FFA0] =	vst v42  }
0x118: {  	v42 =	vld [tilespmem:s12+$0x30];
	_ =	sdelay $0x4  }
0x119: {  	[tilespmem:$0x1FFB0] =	vst v42  }
0x11a: {  	v42 =	vld [tilespmem:s12+$0x40];
	_ =	sdelay $0x4  }
0x11b: {  	[tilespmem:$0x1FFC0] =	vst v42  }
0x11c: {  	v44 =	vmax.f32 v44, v41;
	v42 =	vld [tilespmem:s12+$0x50]  }
0x11d: {  	v32 =	vmax.f32 v39, v32;
	v21 =	vmax.f32 v33, v21;
	v6 =	vmax.f32 v26, v6  }
0x11e: {  	v0 =	vmax.f32 v1, v0;
	v1 =	vmax.f32 v44, v32;
	v6 =	vmax.f32 v21, v6  }
0x11f: {  	v22 =	vmax.f32 v34, v22;
	v10 =	vmax.f32 v10, v11;
	v1 =	vmax.f32 v1, v6;
	v6 =	vld [tilespmem:$0x1FF80]  }
0x120: {  	v11 =	vmax.f32 v12, v13;
	v34 =	vmax.f32 v14, v15;
	v4 =	vmax.f32 v8, v4;
	v8 =	vld [tilespmem:$0x1FF90]  }
0x121: {  	v11 =	vmax.f32 v11, v34;
	v34 =	vld [tilespmem:$0x1FE90];
	v3 =	vmax.f32 v7, v3;
	v2 =	vmax.f32 v5, v2;
	[tilespmem:$0x1FFD0] =	vst v42  }
0x122: {  	v3 =	vmax.f32 v4, v3;
	v0 =	vmax.f32 v2, v0;
	v42 =	vld [tilespmem:s12+$0x60]  }
0x123: {  	v0 =	vmax.f32 v3, v0  }
0x124: {  	v1 =	vmax.f32 v1, v0;
	v0 =	vld [tilespmem:$0x1FFA0]  }
0x125: {  	v6 =	vmax.f32 v6, v8;
	v8 =	vld [tilespmem:$0x1FFB0];
	_ =	sdelay $0x1  }
0x126: {  	v15 =	vmax.f32 v34, v36;
	v34 =	vld [tilespmem:$0x1FED0];
	[tilespmem:$0x1FFE0] =	vst v42  }
0x127: {  	v36 =	vmax.f32 v37, v23;
	v42 =	vld [tilespmem:s12+$0x70]  }
0x128: {  	v15 =	vmax.f32 v15, v36;
	v36 =	vld [tilespmem:$0x1FEF0];
	v46 =	vmax.f32 v46, v47  }
0x129: {  	v47 =	vmax.f32 v48, v49;
	v48 =	vmax.f32 v50, v51;
	v51 =	vld [tilespmem:$0x1FF50];
	v0 =	vmax.f32 v0, v8  }
0x12a: {  	v0 =	vmax.f32 v6, v0;
	v6 =	vld [tilespmem:$0x1FFC0]  }
0x12b: {  	v50 =	vmax.f32 v47, v48;
	v47 =	vld [tilespmem:$0x1FFE0]  }
0x12c: {  	s13 =	sor.u32 s1, s17;
	[tilespmem:$0x1FFF0] =	vst v42;
	v42 =	vld [tilespmem:$0x1FE70]  }
0x12d: {  	v38 =	vmax.f32 v54, v38;
	v54 =	vld [tilespmem:s13+$0x0]  }
0x12e: {  	v9 =	vmax.f32 v20, v9;
	v20 =	vld [tilespmem:s13+$0x10]  }
0x12f: {  	v13 =	vld [tilespmem:s13+$0x20]  }
0x130: {  	s18 =	simm.s32 $0x280;
	v9 =	vmax.f32 v9, v10;
	v10 =	vld [tilespmem:s13+$0x30]  }
0x131: {  	s1 =	sand.u32 $0x280, s18;
	v12 =	vld [tilespmem:s13+$0x50]  }
0x132: {  	v37 =	vmax.f32 v24, v25;
	s19 =	sor.u32 s1, s16;
	v25 =	vld [tilespmem:s13+$0x70]  }
0x133: {  	s20 =	sor.u32 s1, s17;
	v24 =	vld [tilespmem:s19+$0x30]  }
0x134: {  	v58 =	vmax.f32 v58, v59;
	v59 =	vmax.f32 v60, v61;
	v60 =	vmax.f32 v62, v63;
	v63 =	vld [tilespmem:s20+$0x20]  }
0x135: {  	s21 =	simm.s32 $0x300;
	v7 =	vld [tilespmem:s20+$0x50]  }
0x136: {  	s1 =	sand.u32 $0x300, s21;
	v5 =	vld [tilespmem:s20+$0x60]  }
0x137: {  	s23 =	sor.u32 s1, s16;
	v2 =	vld [tilespmem:s20+$0x70]  }
0x138: {  	v3 =	vld [tilespmem:s23+$0x0]  }
0x139: {  	v52 =	vmax.f32 v42, v52;
	v42 =	vld [tilespmem:$0x1FE80]  }
0x13a: {  	v8 =	vld [tilespmem:s23+$0x10]  }
0x13b: {  	v57 =	vmax.f32 v56, v57;
	v48 =	vld [tilespmem:$0x1FFF0]  }
0x13c: {  	v61 =	vmax.f32 v57, v58;
	v58 =	vld [tilespmem:s23+$0x60]  }
0x13d: {  	v62 =	vmax.f32 v59, v60;
	v59 =	vld [tilespmem:s23+$0x70]  }
0x13e: {  	v38 =	vmax.f32 v52, v38;
	v52 =	vmax.f32 v16, v17;
	v17 =	vld [tilespmem:s13+$0x40];
	v40 =	vmax.f32 v42, v40  }
0x13f: {  	v42 =	vmax.f32 v40, v22;
	v22 =	vmax.f32 v18, v19;
	v19 =	vld [tilespmem:s13+$0x60]  }
0x140: {  	v40 =	vmax.f32 v28, v29;
	v29 =	vld [tilespmem:$0x1FEA0]  }
0x141: {  	v18 =	vld [tilespmem:s19+$0x20]  }
0x142: {  	v9 =	vmax.f32 v9, v11;
	v11 =	vmax.f32 v52, v22;
	v22 =	vld [tilespmem:s19+$0x0]  }
0x143: {  	v14 =	vmax.f32 v38, v42;
	v42 =	vmax.f32 v30, v31;
	v30 =	vld [tilespmem:$0x1FEB0]  }
0x144: {  	v31 =	vld [tilespmem:$0x1FEC0]  }
0x145: {  	v38 =	vmax.f32 v35, v27;
	v35 =	vld [tilespmem:$0x1FEE0]  }
0x146: {  	v11 =	vmax.f32 v11, v15;
	v15 =	vld [tilespmem:s19+$0x10]  }
0x147: {  	v52 =	vmax.f32 v37, v38;
	v37 =	vld [tilespmem:$0x1FF00]  }
0x148: {  	v38 =	vld [tilespmem:$0x1FF10]  }
0x149: {  	v27 =	vmax.f32 v40, v42;
	v42 =	vld [tilespmem:$0x1FF30]  }
0x14a: {  	v40 =	vld [tilespmem:$0x1FF20]  }
0x14b: {  	v28 =	vmax.f32 v52, v27;
	v52 =	vld [tilespmem:$0x1FF60]  }
0x14c: {  	v11 =	vmax.f32 v11, v28;
	v28 =	vld [tilespmem:s19+$0x40]  }
0x14d: {  	v16 =	vmax.f32 v29, v30;
	v30 =	vld [tilespmem:s19+$0x50]  }
0x14e: {  	v27 =	vmax.f32 v42, v43;
	v43 =	vld [tilespmem:$0x1FF40]  }
0x14f: {  	v10 =	vmax.f32 v13, v10;
	v9 =	vmax.f32 v14, v9;
	v14 =	vmax.f32 v31, v34;
	v34 =	vld [tilespmem:s19+$0x60]  }
0x150: {  	v2 =	vmax.f32 v5, v2;
	v12 =	vmax.f32 v17, v12;
	v23 =	vmax.f32 v37, v53;
	v53 =	vld [tilespmem:$0x1FF70]  }
0x151: {  	v14 =	vmax.f32 v16, v14;
	v16 =	vmax.f32 v35, v36;
	v36 =	vld [tilespmem:s20+$0x0];
	v15 =	vmax.f32 v22, v15  }
0x152: {  	p0 =	por $0x0, $0x0;
	s3 =	simm.s32 $0x1;
	v42 =	vld [tilespmem:s20+$0x10];
	v16 =	vmax.f32 v16, v23;
	v23 =	vmax.f32 v38, v40;
	v29 =	vmax.f32 v51, v52  }
0x153: {  	s22 =	sand.u32 $0x7, s14;
	s3 =	simm.s32 @!p0 $0x0;
	v40 =	vmax.f32 v61, v62;
	v23 =	vmax.f32 v23, v27;
	v27 =	vmax.f32 v43, v45;
	v43 =	vld [tilespmem:s20+$0x30]  }
0x154: {  	s24 =	sshll.u32 s22, $0x4;
	p0 =	por !p0, !p0;
	s25 =	sshll.u32 s3, $0x6;
	v52 =	vmax.f32 v19, v25;
	v14 =	vmax.f32 v14, v16;
	v16 =	vmax.f32 v47, v48;
	v45 =	vld [tilespmem:s20+$0x40]  }
0x155: {  	s2 =	sadd.s32 $0x0, s25;
	s0 =	sadd.s32 $0x0, s24;
	s16 =	simm.s32 $0x4;
	v12 =	vmax.f32 v12, v52;
	v31 =	vmax.f32 v53, v55;
	v27 =	vmax.f32 v27, v46;
	v46 =	vld [tilespmem:$0x1FFD0]  }
0x156: {  	s2 =	sor.u32 $0x80, s2;
	s26 =	sadd.s32 $0x10, s0;
	s28 =	sand.u32 $0x7, s16;
	v60 =	vmax.f32 v28, v30;
	v29 =	vmax.f32 v29, v31;
	v49 =	vmax.f32 v23, v27;
	v27 =	vld [tilespmem:s19+$0x70]  }
0x157: {  	s0 =	sadd.s32 $0x30, s0;
	s18 =	sor.u32 s1, s17;
	s1 =	sshll.u32 s28, $0x4;
	v51 =	vld [tilespmem:s23+$0x30];
	v62 =	vmax.f32 v36, v42;
	v38 =	vmax.f32 v50, v29;
	v50 =	vmax.f32 v54, v20  }
0x158: {  	s5 =	sand.u32 $0x3, s14;
	s0 =	sor.u32 $0x80, s0;
	s1 =	sadd.s32 $0x80, s1;
	v53 =	vld [tilespmem:s23+$0x40];
	v54 =	vmax.f32 v18, v24;
	v14 =	vmax.f32 v14, v49;
	v10 =	vmax.f32 v50, v10  }
0x159: {  	s5 =	sshll.u32 s5, $0x5;
	s30 =	sadd.s32 $0x30, s1;
	[tilespmem:s0+$0xC000] =	vst v9;
	s0 =	simm.s32 $0x1;
	v4 =	vmax.f32 v38, v40;
	v49 =	vld [tilespmem:s23+$0x20];
	v57 =	vmax.f32 v15, v54;
	v56 =	vmax.f32 v10, v12  }
0x15a: {  	s29 =	sadd.s32 $0x20, s5;
	s31 =	sor.u32 $0x80, s30;
	v55 =	vld [tilespmem:s23+$0x50];
	[tilespmem:s2+$0xC000] =	vst v11;
	s0 =	simm.s32 @!p0 $0x0;
	v63 =	vmax.f32 v63, v43;
	v7 =	vmax.f32 v45, v7;
	v6 =	vmax.f32 v6, v46  }
0x15b: {  	s2 =	sor.u32 $0x80, s29;
	[tilespmem:s31+$0xC000] =	vst v1;
	s0 =	sshll.u32 s0, $0x6;
	v7 =	vmax.f32 v7, v2;
	v2 =	vld [tilespmem:s18+$0x10];
	v6 =	vmax.f32 v6, v16;
	v61 =	vmax.f32 v34, v27  }
0x15c: {  	s3 =	sor.u32 $0x80, s26;
	[tilespmem:s2+$0xC000] =	vst v4;
	s0 =	sadd.s32 $0x80, s0;
	v5 =	vmax.f32 v62, v63;
	v6 =	vmax.f32 v0, v6;
	v0 =	vld [tilespmem:s18+$0x0];
	v4 =	vmax.f32 v60, v61  }
0x15d: {  	s1 =	sadd.s32 $0x10, s1;
	v1 =	vld [tilespmem:s18+$0x20];
	[tilespmem:s3+$0xC000] =	vst v14;
	s0 =	sor.u32 $0x80, s0;
	v5 =	vmax.f32 v5, v7;
	v6 =	vmax.f32 v6, v56;
	v4 =	vmax.f32 v57, v4  }
0x15e: {  	s21 =	simm.s32 $0x800;
	s1 =	sor.u32 $0x80, s1;
	v3 =	vmax.f32 v3, v8;
	[tilespmem:s0+$0xC000] =	vst v6;
	v5 =	vmax.f32 v4, v5;
	v6 =	vmax.f32 v49, v51;
	v4 =	vld [tilespmem:s18+$0x30]  }
0x15f: {  	s17 =	simm.s32 $0x20;
	s20 =	simm.s32 $0x80;
	s19 =	simm.s32 $0x4;
	v7 =	vmax.f32 v58, v59;
	[tilespmem:s1+$0xC000] =	vst v5;
	v5 =	vmax.f32 v3, v6;
	v6 =	vmax.f32 v53, v55;
	v3 =	vld [tilespmem:s18+$0x40]  }
.LBB2_4:
0x160: {  	s1 =	sand.u32 $0x7800, s21;
	v8 =	vld [tilespmem:s18+$0x50];
	v6 =	vmax.f32 v6, v7;
	s15 =	sadd.s32 $0x200, s15  }
0x161: {  	s0 =	sadd.s32 $0xFFFFFE80, s15;
	s2 =	sadd.s32 $0x6000, s1;
	s3 =	sand.u32 $0x380, s15;
	v7 =	vld [tilespmem:s18+$0x60];
	v0 =	vmax.f32 v0, v2;
	v2 =	vmax.f32 v5, v6  }
0x162: {  	s4 =	sadd.s32 $0xFFFFFF00, s15;
	s5 =	sadd.s32 $0xFFFFFF80, s15;
	s6 =	sor.u32 s3, s2;
	v5 =	vld [tilespmem:s18+$0x70]  }
0x163: {  	s7 =	sand.u32 $0x200, s0;
	s4 =	sand.u32 $0x280, s4;
	s5 =	sand.u32 $0x300, s5;
	v6 =	vld [tilespmem:s6+$0x0];
	v1 =	vmax.f32 v1, v4  }
0x164: {  	s0 =	sor.u32 s7, s2;
	s24 =	sor.u32 s4, s2;
	s23 =	sor.u32 s5, s2;
	v4 =	vld [tilespmem:s6+$0x10];
	v0 =	vmax.f32 v0, v1  }
0x165: {  	s14 =	sadd.s32 $0x2, s14;
	v1 =	vld [tilespmem:s6+$0x20];
	v3 =	vmax.f32 v3, v8  }
0x166: {  	s2 =	sand.u32 $0x3, s14;
	v8 =	vld [tilespmem:s6+$0x30]  }
0x167: {  	s17 =	sadd.s32 $0x80, s17;
	s2 =	sshll.u32 s2, $0x5;
	v9 =	vld [tilespmem:s6+$0x40];
	v5 =	vmax.f32 v7, v5  }
0x168: {  	s2 =	sadd.s32 s2, s17;
	v7 =	vld [tilespmem:s6+$0x50];
	v3 =	vmax.f32 v3, v5  }
0x169: {  	s8 =	sadd.s32 $0x6400, s1;
	s2 =	sor.u32 $0x80, s2;
	v5 =	vld [tilespmem:s6+$0x60];
	v0 =	vmax.f32 v0, v3  }
0x16a: {  	s3 =	sor.u32 s3, s8;
	s1 =	sor.u32 s7, s8;
	s25 =	sor.u32 s4, s8;
	v3 =	vld [tilespmem:s6+$0x70];
	v0 =	vmax.f32 v2, v0  }
0x16b: {  	s18 =	sor.u32 s5, s8;
	v2 =	vld [tilespmem:s3+$0x0];
	[tilespmem:s2+$0xC000] =	vst v0  }
0x16c: {  	v0 =	vld [tilespmem:s3+$0x10]  }
0x16d: {  	v10 =	vld [tilespmem:s3+$0x20]  }
0x16e: {  	v11 =	vld [tilespmem:s3+$0x30]  }
0x16f: {  	s19 =	sadd.s32 $0x4, s19;
	v12 =	vld [tilespmem:s3+$0x40]  }
0x170: {  	p1 =	slt.u32 s19, $0x5C;
	v13 =	vld [tilespmem:s3+$0x50]  }
0x171: {  	v14 =	vld [tilespmem:s3+$0x60]  }
0x172: {  	v15 =	vld [tilespmem:s3+$0x70]  }
0x173: {  	v16 =	vld [tilespmem:s0+$0x0]  }
0x174: {  	v17 =	vld [tilespmem:s0+$0x10]  }
0x175: {  	s16 =	sadd.s32 $0x4, s16;
	p0 =	por !p0, !p0;
	v4 =	vmax.f32 v6, v4;
	v1 =	vmax.f32 v1, v8;
	v6 =	vmax.f32 v9, v7;
	s3 =	simm.s32 $0x1;
	v18 =	vld [tilespmem:s0+$0x20]  }
0x176: {  	s2 =	sand.u32 $0x7, s16;
	v3 =	vmax.f32 v5, v3;
	v0 =	vmax.f32 v2, v0;
	s3 =	simm.s32 @!p0 $0x0;
	v2 =	vmax.f32 v10, v11;
	v7 =	vld [tilespmem:s0+$0x30]  }
0x177: {  	s20 =	sadd.s32 $0x80, s20;
	s2 =	sshll.u32 s2, $0x4;
	v1 =	vmax.f32 v4, v1;
	s3 =	sshll.u32 s3, $0x6;
	v8 =	vmax.f32 v12, v13;
	v5 =	vld [tilespmem:s0+$0x40];
	v9 =	vmax.f32 v14, v15  }
0x178: {  	s2 =	sadd.s32 s2, s20;
	v3 =	vmax.f32 v6, v3;
	v0 =	vmax.f32 v0, v2;
	s3 =	sadd.s32 s3, s20;
	v4 =	vld [tilespmem:s0+$0x50];
	v2 =	vmax.f32 v8, v9  }
0x179: {  	s4 =	sadd.s32 $0x10, s2;
	s2 =	sadd.s32 $0x30, s2;
	v1 =	vmax.f32 v1, v3;
	s3 =	sor.u32 $0x80, s3;
	v6 =	vld [tilespmem:s0+$0x60];
	v8 =	vmax.f32 v16, v17;
	v0 =	vmax.f32 v0, v2  }
0x17a: {  	s2 =	sor.u32 $0x80, s2;
	v2 =	vld [tilespmem:s0+$0x70];
	s0 =	sor.u32 $0x80, s4;
	v0 =	vmax.f32 v1, v0  }
0x17b: {  	v1 =	vld [tilespmem:s1+$0x0];
	v3 =	vmax.f32 v18, v7;
	[tilespmem:s2+$0xC000] =	vst v0  }
0x17c: {  	v0 =	vld [tilespmem:s1+$0x10];
	v3 =	vmax.f32 v8, v3  }
0x17d: {  	v7 =	vld [tilespmem:s1+$0x20];
	v4 =	vmax.f32 v5, v4  }
0x17e: {  	v5 =	vld [tilespmem:s1+$0x30]  }
0x17f: {  	v8 =	vld [tilespmem:s1+$0x40];
	v2 =	vmax.f32 v6, v2  }
0x180: {  	v6 =	vld [tilespmem:s1+$0x50];
	v2 =	vmax.f32 v4, v2  }
0x181: {  	v4 =	vld [tilespmem:s1+$0x60];
	v0 =	vmax.f32 v1, v0;
	v1 =	vmax.f32 v3, v2  }
0x182: {  	v2 =	vld [tilespmem:s1+$0x70]  }
0x183: {  	v3 =	vmax.f32 v7, v5;
	v5 =	vld [tilespmem:s24+$0x0]  }
0x184: {  	v0 =	vmax.f32 v0, v3;
	v3 =	vld [tilespmem:s24+$0x10]  }
0x185: {  	v6 =	vmax.f32 v8, v6;
	v7 =	vld [tilespmem:s24+$0x20]  }
0x186: {  	v8 =	vld [tilespmem:s24+$0x30]  }
0x187: {  	v2 =	vmax.f32 v4, v2;
	v4 =	vld [tilespmem:s24+$0x40]  }
0x188: {  	v2 =	vmax.f32 v6, v2;
	v6 =	vld [tilespmem:s24+$0x50]  }
0x189: {  	v0 =	vmax.f32 v0, v2;
	v2 =	vld [tilespmem:s24+$0x60];
	v3 =	vmax.f32 v5, v3  }
0x18a: {  	v0 =	vmax.f32 v1, v0;
	v1 =	vld [tilespmem:s24+$0x70]  }
0x18b: {  	[tilespmem:s3+$0xC000] =	vst v0;
	v0 =	vld [tilespmem:s25+$0x0];
	v5 =	vmax.f32 v7, v8  }
0x18c: {  	v7 =	vld [tilespmem:s25+$0x10];
	v3 =	vmax.f32 v3, v5  }
0x18d: {  	v5 =	vld [tilespmem:s25+$0x20];
	v4 =	vmax.f32 v4, v6  }
0x18e: {  	v6 =	vld [tilespmem:s25+$0x30]  }
0x18f: {  	v8 =	vld [tilespmem:s25+$0x40];
	v1 =	vmax.f32 v2, v1  }
0x190: {  	v2 =	vld [tilespmem:s25+$0x50];
	v1 =	vmax.f32 v4, v1  }
0x191: {  	v4 =	vld [tilespmem:s25+$0x60];
	v0 =	vmax.f32 v0, v7;
	v1 =	vmax.f32 v3, v1  }
0x192: {  	v3 =	vld [tilespmem:s25+$0x70]  }
0x193: {  	v5 =	vmax.f32 v5, v6;
	v6 =	vld [tilespmem:s23+$0x0]  }
0x194: {  	v0 =	vmax.f32 v0, v5;
	v5 =	vld [tilespmem:s23+$0x10]  }
0x195: {  	v2 =	vmax.f32 v8, v2;
	v7 =	vld [tilespmem:s23+$0x20]  }
0x196: {  	v8 =	vld [tilespmem:s23+$0x30]  }
0x197: {  	v3 =	vmax.f32 v4, v3;
	v4 =	vld [tilespmem:s23+$0x40]  }
0x198: {  	v2 =	vmax.f32 v2, v3;
	v3 =	vld [tilespmem:s23+$0x50]  }
0x199: {  	v0 =	vmax.f32 v0, v2;
	v9 =	vld [tilespmem:s23+$0x60];
	v5 =	vmax.f32 v6, v5  }
0x19a: {  	v0 =	vmax.f32 v1, v0;
	v10 =	vld [tilespmem:s23+$0x70]  }
.Ltmp1:
0x19b: {  	[tilespmem:s0+$0xC000] =	vst v0;
	v0 =	vld [tilespmem:s18+$0x0];
	v1 =	vmax.f32 v7, v8;
	(pc) =	sbr.rel @p1 .LBB2_4-.Ltmp1, $4  }
0x19c: {  	v2 =	vld [tilespmem:s18+$0x10];
	v5 =	vmax.f32 v5, v1  }
0x19d: {  	v1 =	vld [tilespmem:s18+$0x20];
	v6 =	vmax.f32 v4, v3  }
0x19e: {  	v4 =	vld [tilespmem:s18+$0x30]  }
0x19f: {  	s21 =	sadd.s32 $0x400, s21;
	v3 =	vld [tilespmem:s18+$0x40];
	v7 =	vmax.f32 v9, v10  }
0x1a0: {  	v8 =	vld [tilespmem:s18+$0x50]  }
0x1a1: {  	v9 =	vld [tilespmem:s18+$0x60]  }
0x1a2: {  	v10 =	vld [tilespmem:s18+$0x70];
	_ =	sdelay $0x3  }
0x1a3: {  	s0 =	sadd.s32 $0x2, s14;
	v0 =	vmax.f32 v0, v2  }
0x1a4: {  	s0 =	sand.u32 $0x3, s0;
	v1 =	vmax.f32 v1, v4;
	v59 =	vmax.f32 v3, v8;
	v60 =	vmax.f32 v9, v10  }
0x1a5: {  	v61 =	vmax.f32 v6, v7;
	s1 =	sadd.s32 $0x80, s17;
	s0 =	sshll.u32 s0, $0x5;
	v0 =	vmax.f32 v0, v1;
	v62 =	vmax.f32 v59, v60  }
0x1a6: {  	v63 =	vmax.f32 v5, v61;
	s0 =	sadd.s32 s0, s1;
	v0 =	vmax.f32 v0, v62  }
0x1a7: {  	s0 =	sor.u32 $0x80, s0;
	v0 =	vmax.f32 v63, v0  }
0x1a8: {  	[tilespmem:s0+$0xC000] =	vst v0  }
0x1a9: {  	s7 =	simm.s32 $0x0;
	s4 =	simm.s32 $0xC080;
	s3 =	rddreg [dreg:$0xc]  }
0x1aa: {  	[hbm4b:s3+s7] =	stream.linear.scatter [tilespmem:s4], [sflag:$0x4], $0x80, $0x38;
	[tilespmem:$0xCC00] =	vst v63  }
0x1ab: {  	s2 =	simm.s32 $0xC180;
	s5 =	sadd.s32 $0x10, s3  }
0x1ac: {  	[hbm4b:s5+s7] =	stream.linear.scatter [tilespmem:s2], [sflag:$0x4], $0x80, $0x38;
	[tilespmem:$0xCC00] =	vst v63  }
0x1ad: {  	s8 =	simm.s32 $0xC280;
	s6 =	sadd.s32 $0x20, s3  }
0x1ae: {  	[hbm4b:s6+s7] =	stream.linear.scatter [tilespmem:s8], [sflag:$0x4], $0x80, $0x38;
	[tilespmem:$0xCC00] =	vst v63  }
0x1af: {  	s10 =	simm.s32 $0xC380;
	s9 =	sadd.s32 $0x30, s3  }
0x1b0: {  	[hbm4b:s9+s7] =	stream.linear.scatter [tilespmem:s10], [sflag:$0x4], $0x80, $0x38;
	[tilespmem:$0xCC00] =	vst v63  }
0x1b1: {  	s12 =	simm.s32 $0xC480;
	s11 =	sadd.s32 $0x40, s3  }
0x1b2: {  	[hbm4b:s11+s7] =	stream.linear.scatter [tilespmem:s12], [sflag:$0x4], $0x80, $0x38;
	[tilespmem:$0xCC00] =	vst v63  }
0x1b3: {  	s14 =	simm.s32 $0xC580;
	s13 =	sadd.s32 $0x50, s3  }
0x1b4: {  	[hbm4b:s13+s7] =	stream.linear.scatter [tilespmem:s14], [sflag:$0x4], $0x80, $0x38;
	[tilespmem:$0xCC00] =	vst v63  }
0x1b5: {  	s16 =	simm.s32 $0xC680;
	s15 =	sadd.s32 $0x60, s3  }
0x1b6: {  	[hbm4b:s15+s7] =	stream.linear.scatter [tilespmem:s16], [sflag:$0x4], $0x80, $0x38;
	[tilespmem:$0xCC00] =	vst v63  }
0x1b7: {  	s18 =	simm.s32 $0xC780;
	s17 =	sadd.s32 $0x70, s3  }
0x1b8: {  	[hbm4b:s17+s7] =	stream.linear.scatter [tilespmem:s18], [sflag:$0x4], $0x80, $0x38;
	[tilespmem:$0xCC00] =	vst v63  }
0x1b9: {  	s20 =	simm.s32 $0xC880;
	s19 =	sadd.s32 $0x80, s3  }
0x1ba: {  	[hbm4b:s19+s7] =	stream.linear.scatter [tilespmem:s20], [sflag:$0x4], $0x80, $0x38;
	[tilespmem:$0xCC00] =	vst v63  }
0x1bb: {  	s22 =	simm.s32 $0xC980;
	s21 =	sadd.s32 $0x90, s3  }
0x1bc: {  	[hbm4b:s21+s7] =	stream.linear.scatter [tilespmem:s22], [sflag:$0x4], $0x80, $0x38;
	[tilespmem:$0xCC00] =	vst v63  }
0x1bd: {  	s24 =	simm.s32 $0xCA80;
	s23 =	sadd.s32 $0xA0, s3  }
0x1be: {  	[hbm4b:s23+s7] =	stream.linear.scatter [tilespmem:s24], [sflag:$0x4], $0x80, $0x38;
	[tilespmem:$0xCC00] =	vst v63  }
0x1bf: {  	s26 =	simm.s32 $0xCB80;
	s28 =	simm.s32 $0x3;
	s25 =	sadd.s32 $0xB0, s3  }
0x1c0: {  	[hbm4b:s25+s7] =	stream.linear.scatter [tilespmem:s26], [sflag:$0x4], $0x80, $0x38;
	[tilespmem:$0xCC00] =	vst v63  }
0x1c1: {  	_ =	swait.ge [sflag:s28], $0x600  }
0x1c2: {  	[sflag:s28] =	ssyncset.done $0x0  }
0x1c3: {  	s29 =	simm.s32 $0x4;
	[sflag:s28] =	ssyncadd.s32 $0xFFFFFA00  }
0x1c4: {  	_ =	swait.ge [sflag:s29], $0x600  }
0x1c5: {  	s30 =	rddreg [dreg:$0xe]  }
0x1c6: {  	s31 =	rddreg [dreg:$0xd];
	s2 =	sadd.s32 $0x1, s30  }
0x1c7: {  	p0 =	sne.s32 s2, s31  }
.Ltmp2:
0x1c8: {  	_ = 	snop;
	(pc) =	sbr.rel @p0 .LBB2_1-.Ltmp2, $3  }
0x1c9: {  	_ =	sdelay $0x1  }
0x1ca: {  	[sflag:s29] =	ssyncset.done $0x0  }
0x1cb: {  	[sflag:s29] =	ssyncadd.s32 $0xFFFFFA00  }
0x1cc: {  	_ =	sfence.sel $0x180000  }
0x1cd: {  	[bflag:$0x0] =	sbarrier.arrive $0xFFFF  }
0x1ce: {  	_ =	strace $0x90000047  }
0x1cf: {  	s0 =	stileid.u32;
	[bflag:$0x2] =	sbarrier.arrive $0xFFFF  }
0x1d0: {  	p0 =	sne.s32 s0, $0x0;
	s0 =	rddreg [dreg:$0x2]  }
0x1d1: {  	s0 =	sadd.s32 @!p0 $0x100000, s0  }
0x1d2: {  	[sflag:s0] =	ssyncadd.tile.s32 @!p0 $0x1;
	_ =	shalt  }
.Lfunc_end2:
_tile_overlayer_lowered:
.L_overlay_start_2:
0x1d3: {  	(tag) =	ssettag $0x2  }
0x1d4: {  	s0 =	rddreg [dreg:$0x0];
	s2 =	stileid.u32  }
0x1d5: {  	s1 =	rddreg [dreg:$0x1];
	p0 =	sne.s32 s2, $0x0  }
0x1d6: {  	s3 =	rddreg [dreg:$0x2];
	[bflag:$0x3] =	sbarrier.arrive $0xFFFF;
	s2 =	simm.s32 @!p0 $0x1C05  }
0x1d7: {  	[timem:s3], [sflag:s2] =	dma.local @!p0 [hbm:s0], s1  }
0x1d8: {  	s0 =	simm.s32 @!p0 $0x5  }
0x1d9: {  	_ =	swait.ge @!p0 [sflag:s0], s1  }
0x1da: {  	s1 =	ssub.s32 @!p0 $0x0, s1;
	[sflag:s0] =	ssyncset.done @!p0 $0x0  }
0x1db: {  	[sflag:s0] =	ssyncadd.s32 @!p0 s1  }
0x1dc: {  	[bflag:$0x3] =	sbarrier.arrive $0xFFFF  }
0x1dd: {  	_ =	shalt  }

</sc_bundles>
